<compile_context>
chip_gen: v7x
topology: tpu7x:2x2x1
jax: 0.10.2.dev20260603
libtpu: 0.0.44.dev20260713+nightly
codegen_flags: <defaults>
</compile_context>

<pallas_src>
import functools

import jax
import jax.numpy as jnp
from jax import lax
from jax.experimental import pallas as pl
from jax.experimental.pallas import tpu as pltpu
from jax.experimental.pallas import tpu_sc as plsc

NC = 2
NS = 16
K = 128


def _sc_scatter(x, edge_index, n, e, d):
  nt = NC * NS
  F = e // (nt * K)
  ebase_extra = nt * F * K
  n_extra = (e - ebase_extra) // K
  assert e == (nt * F + n_extra) * K and F % 2 == 0
  rpt = n // NS
  nz = rpt // K
  rz = rpt - nz * K

  mesh = plsc.VectorSubcoreMesh(
      core_axis_name="c", subcore_axis_name="s", num_cores=NC, num_subcores=NS)

  @functools.partial(
      pl.kernel,
      out_type=[
          jax.ShapeDtypeStruct((NC, n, d), jnp.float32),
          jax.ShapeDtypeStruct((NC, NS, n // 16, 16), jnp.float32),
      ],
      mesh=mesh,
      compiler_params=pltpu.CompilerParams(
          use_tc_tiling_on_sc=False, needs_layout_passes=False),
      scratch_types=[
          pltpu.VMEM_SHARED((n, d), jnp.float32),
          pltpu.VMEM((n // 16, 16), jnp.float32),
          pltpu.VMEM((K,), jnp.int32),
          pltpu.VMEM((K,), jnp.int32),
          pltpu.VMEM((K,), jnp.int32),
          pltpu.VMEM((K,), jnp.int32),
          pltpu.VMEM((K, d), jnp.float32),
          pltpu.VMEM((K, d), jnp.float32),
          pltpu.SemaphoreType.DMA,
          pltpu.SemaphoreType.DMA,
          pltpu.SemaphoreType.DMA,
          pltpu.SemaphoreType.DMA,
      ],
  )
  def body(x_hbm, ei_hbm, acc_out, deg_out, acc_sh, hist,
           sidx0, sidx1, didx0, didx1, rows0, rows1,
           sem_r0, sem_r1, sem_i0, sem_i1):
    cid = lax.axis_index("c")
    sid = lax.axis_index("s")
    wid = cid * NS + sid
    ebase = wid * (F * K)
    src_hbm = ei_hbm.at[0]
    dst_hbm = ei_hbm.at[1]

    def fill(i, carry):
      for j in range(d // 16):
        rows0[i, pl.ds(j * 16, 16)] = jnp.zeros((16,), jnp.float32)
      return carry

    lax.fori_loop(0, K, fill, 0)

    def zfill(k, carry):
      pltpu.sync_copy(rows0, acc_sh.at[pl.ds(sid * rpt + k * K, K)])
      return carry

    lax.fori_loop(0, nz, zfill, 0)
    if rz:
      pltpu.sync_copy(rows0.at[pl.ds(0, rz)],
                      acc_sh.at[pl.ds(sid * rpt + nz * K, rz)])

    def hfill(i, carry):
      hist[i, :] = jnp.zeros((16,), jnp.float32)
      return carry

    lax.fori_loop(0, n // 16, hfill, 0)
    plsc.subcore_barrier()

    pltpu.sync_copy(src_hbm.at[pl.ds(ebase, K)], sidx0)
    pltpu.sync_copy(dst_hbm.at[pl.ds(ebase, K)], didx0)
    pltpu.async_copy(x_hbm.at[sidx0], rows0, sem_r0)
    pltpu.async_copy(src_hbm.at[pl.ds(ebase + K, K)], sidx1, sem_i1)
    pltpu.async_copy(dst_hbm.at[pl.ds(ebase + K, K)], didx1, sem_i1)

    bufs = ((sidx0, didx0, rows0, sem_i0, sem_r0),
            (sidx1, didx1, rows1, sem_i1, sem_r1))
    ones16 = jnp.ones((16,), jnp.float32)

    def pair(i, carry):
      c0 = i * 2
      for b in range(2):
        c = c0 + b
        cs, cd, crows, csem, crsem = bufs[b]
        ns, nd, nrows, nsem, nrsem = bufs[1 - b]

        for j in range(K // 16):
          iv = cd[pl.ds(j * 16, 16)]
          plsc.addupdate_scatter(
              hist, [lax.shift_right_logical(iv, 4), iv & 15], ones16)

        @pl.when(c < F - 1)
        def _():
          pltpu.make_async_copy(src_hbm.at[pl.ds(ebase, K)], ns, nsem).wait()
          pltpu.make_async_copy(dst_hbm.at[pl.ds(ebase, K)], nd, nsem).wait()
          pltpu.async_copy(x_hbm.at[ns], nrows, nrsem)

        pltpu.make_async_copy(x_hbm.at[cs], crows, crsem).wait()
        pltpu.sync_copy(crows, acc_sh.at[cd], add=True)

        @pl.when(c < F - 2)
        def _():
          off = ebase + (c + 2) * K
          pltpu.async_copy(src_hbm.at[pl.ds(off, K)], cs, csem)
          pltpu.async_copy(dst_hbm.at[pl.ds(off, K)], cd, csem)

      return carry

    lax.fori_loop(0, F // 2, pair, 0)

    if n_extra:
      @pl.when(wid < n_extra)
      def _():
        off = ebase_extra + wid * K
        pltpu.sync_copy(src_hbm.at[pl.ds(off, K)], sidx0)
        pltpu.sync_copy(dst_hbm.at[pl.ds(off, K)], didx0)
        pltpu.async_copy(x_hbm.at[sidx0], rows0, sem_r0)
        for j in range(K // 16):
          iv = didx0[pl.ds(j * 16, 16)]
          plsc.addupdate_scatter(
              hist, [lax.shift_right_logical(iv, 4), iv & 15], ones16)
        pltpu.make_async_copy(x_hbm.at[sidx0], rows0, sem_r0).wait()
        pltpu.sync_copy(rows0, acc_sh.at[didx0], add=True)

    plsc.subcore_barrier()

    pltpu.async_copy(acc_sh.at[pl.ds(sid * rpt, rpt)],
                     acc_out.at[cid, pl.ds(sid * rpt, rpt)], sem_r0)
    pltpu.async_copy(hist, deg_out.at[cid, sid], sem_i0)
    pltpu.make_async_copy(acc_sh.at[pl.ds(sid * rpt, rpt)],
                          acc_out.at[cid, pl.ds(sid * rpt, rpt)], sem_r0).wait()
    pltpu.make_async_copy(hist, deg_out.at[cid, sid], sem_i0).wait()

  return body(x, edge_index)


def _tc_epilogue(acc, deg, W1, b1, W2, b2, n, d):
  blk = 1000
  grid = n // blk

  def body(acc_ref, deg_ref, w1_ref, b1_ref, w2_ref, b2_ref, out_ref):
    a = acc_ref[0] + acc_ref[1]
    dg = jnp.sum(deg_ref[...], axis=1, keepdims=True)
    r = 1.0 / jnp.maximum(dg, 1.0)
    h = jnp.dot(a * r, w1_ref[...], preferred_element_type=jnp.float32)
    h = jnp.maximum(h + b1_ref[...], 0.0)
    out_ref[...] = (jnp.dot(h, w2_ref[...], preferred_element_type=jnp.float32)
                    + b2_ref[...])

  return pl.pallas_call(
      body,
      grid=(grid,),
      in_specs=[
          pl.BlockSpec((NC, blk, d), lambda i: (0, i, 0)),
          pl.BlockSpec((blk, NC * NS), lambda i: (i, 0)),
          pl.BlockSpec((d, d), lambda i: (0, 0)),
          pl.BlockSpec((1, d), lambda i: (0, 0)),
          pl.BlockSpec((d, d), lambda i: (0, 0)),
          pl.BlockSpec((1, d), lambda i: (0, 0)),
      ],
      out_specs=pl.BlockSpec((blk, d), lambda i: (i, 0)),
      out_shape=jax.ShapeDtypeStruct((n, d), jnp.float32),
  )(acc, deg, W1, b1, W2, b2)


def kernel(x, edge_index, W1, b1, W2, b2):
  n, d = x.shape
  e = edge_index.shape[1]
  acc, deg = _sc_scatter(x, edge_index, n, e, d)
  deg_t = deg.reshape(NC * NS, n).T
  return _tc_epilogue(acc, deg_t, W1, b1.reshape(1, d), W2, b2.reshape(1, d),
                      n, d)

# --- scband reference (transcript-rebuilt; emitter-appended) ---
"""Pipeline reference for scband-segmentation-unet-model-33457795235988 (READ-ONLY COPY).

The authoritative reference and input builder live on the scoring server;
editing this copy changes nothing except your own understanding.
"""

import jax, jax.numpy as jnp
import numpy as np

N = 10000
E = 320000
D = 128

def setup_inputs(seed: int = 0) -> dict:
    key = jax.random.key(seed)
    k1, k2, k3, k4 = jax.random.split(key, 4)
    x = jax.random.normal(k1, (N, D), dtype=jnp.float32)
    edge_index = jax.random.randint(k2, (2, E), 0, N, dtype=jnp.int32)
    W1 = jax.random.normal(k3, (D, D), dtype=jnp.float32) * 0.05
    b1 = jnp.zeros((D,), dtype=jnp.float32)
    W2 = jax.random.normal(k4, (D, D), dtype=jnp.float32) * 0.05
    b2 = jnp.zeros((D,), dtype=jnp.float32)
    return {"x": x, "edge_index": edge_index, "W1": W1, "b1": b1, "W2": W2, "b2": b2}

def reference(x, edge_index, W1, b1, W2, b2):
    # Core message-passing kernel of the point-cloud conv layer:
    # gather source features along edges, transform, scatter-mean to dst nodes,
    # bias + ReLU (bn_act_do), then pointwise Linear block.
    src = edge_index[0]
    dst = edge_index[1]
    msg = jnp.take(x, src, axis=0) @ W1            # [E, D] gather + transform
    agg = jax.ops.segment_sum(msg, dst, num_segments=N)   # scatter-add [N, D]
    deg = jax.ops.segment_sum(jnp.ones((E, 1), dtype=jnp.float32), dst, num_segments=N)
    h = jax.nn.relu(agg / jnp.maximum(deg, 1.0) + b1)
    out = h @ W2 + b2
    return out

if __name__ == "__main__":
    import jax
    _d = setup_inputs()
    print(jax.jit(kernel)(*tuple(_d.values())))

</pallas_src>

<mosaic_0001>
#map = affine_map<(d0, d1) -> (0, 0)>
#map1 = affine_map<(d0, d1) -> (0, 0, 0)>
#map2 = affine_map<(d0, d1) -> (0, 0, 0, 0)>
module attributes {stable_mosaic.version = 14 : i64} {
  func.func @body(%arg0: i32, %arg1: i32, %arg2: memref<10000x128xf32, #tpu.memory_space<hbm>>, %arg3: memref<2x320000xi32, #tpu.memory_space<hbm>>, %arg4: memref<2x10000x128xf32, #tpu.memory_space<hbm>>, %arg5: memref<2x16x625x16xf32, #tpu.memory_space<hbm>>, %arg6: memref<10000x128xf32, #tpu.memory_space<vmem_shared>>, %arg7: memref<625x16xf32, #tpu.memory_space<vmem>>, %arg8: memref<128xi32, #tpu.memory_space<vmem>>, %arg9: memref<128xi32, #tpu.memory_space<vmem>>, %arg10: memref<128xi32, #tpu.memory_space<vmem>>, %arg11: memref<128xi32, #tpu.memory_space<vmem>>, %arg12: memref<128x128xf32, #tpu.memory_space<vmem>>, %arg13: memref<128x128xf32, #tpu.memory_space<vmem>>, %arg14: memref<!tpu.dma_semaphore, #tpu.memory_space<semaphore_mem>>, %arg15: memref<!tpu.dma_semaphore, #tpu.memory_space<semaphore_mem>>, %arg16: memref<!tpu.dma_semaphore, #tpu.memory_space<semaphore_mem>>, %arg17: memref<!tpu.dma_semaphore, #tpu.memory_space<semaphore_mem>>) attributes {dimension_semantics = [#tpu.dimension_semantics<core_parallel>, #tpu.dimension_semantics<subcore_parallel>], iteration_bounds = array<i64: 2, 16>, scalar_prefetch = 0 : i64, scratch_operands = 12 : i64, tpu.core_type = #tpu.core_type<sc_vector_subcore>, window_params = [{transform_indices = #map}, {transform_indices = #map}, {transform_indices = #map1}, {transform_indices = #map2}]} {
    %mul3A = arith.constant 16 : i32
    %mul3A_0 = arith.muli %arg0, %mul3A : i32
    %add3A = arith.addi %mul3A_0, %arg1 : i32
    %mul3A_1 = arith.constant 9984 : i32
    %mul3A_2 = arith.muli %add3A, %mul3A_1 : i32
    %scan3A = arith.constant 0 : i32
    %scan3A_3 = arith.constant 0 : i32
    %scan3A_4 = arith.constant 128 : i32
    %scan3A_5 = arith.addi %scan3A_3, %scan3A_4 : i32
    %scan3A_6 = arith.constant 1 : i32
    scf.for %scan3A_96 = %scan3A_3 to %scan3A_5 step %scan3A_6  : i32 {
      %broadcast_in_dim3A_97 = arith.constant 0.000000e+00 : f32
      %broadcast_in_dim3A_98 = vector.broadcast %broadcast_in_dim3A_97 : f32 to vector<16xf32>
      %swap3A = arith.index_cast %scan3A_96 : i32 to index
      %swap3A_99 = arith.constant 0 : index
      %swap3A_100 = tpu.vector_load %arg12[%swap3A, %swap3A_99] {strides = array<i32>} : memref<128x128xf32, #tpu.memory_space<vmem>>, vector<16xf32>,
      tpu.vector_store %arg12[%swap3A, %swap3A_99], %broadcast_in_dim3A_98 {strides = array<i32>} : memref<128x128xf32, #tpu.memory_space<vmem>>, vector<16xf32>,
      %broadcast_in_dim3A_101 = arith.constant 0.000000e+00 : f32
      %broadcast_in_dim3A_102 = vector.broadcast %broadcast_in_dim3A_101 : f32 to vector<16xf32>
      %swap3A_103 = arith.index_cast %scan3A_96 : i32 to index
      %swap3A_104 = arith.constant 16 : index
      %swap3A_105 = tpu.vector_load %arg12[%swap3A_103, %swap3A_104] {strides = array<i32>} : memref<128x128xf32, #tpu.memory_space<vmem>>, vector<16xf32>,
      tpu.vector_store %arg12[%swap3A_103, %swap3A_104], %broadcast_in_dim3A_102 {strides = array<i32>} : memref<128x128xf32, #tpu.memory_space<vmem>>, vector<16xf32>,
      %broadcast_in_dim3A_106 = arith.constant 0.000000e+00 : f32
      %broadcast_in_dim3A_107 = vector.broadcast %broadcast_in_dim3A_106 : f32 to vector<16xf32>
      %swap3A_108 = arith.index_cast %scan3A_96 : i32 to index
      %swap3A_109 = arith.constant 32 : index
      %swap3A_110 = tpu.vector_load %arg12[%swap3A_108, %swap3A_109] {strides = array<i32>} : memref<128x128xf32, #tpu.memory_space<vmem>>, vector<16xf32>,
      tpu.vector_store %arg12[%swap3A_108, %swap3A_109], %broadcast_in_dim3A_107 {strides = array<i32>} : memref<128x128xf32, #tpu.memory_space<vmem>>, vector<16xf32>,
      %broadcast_in_dim3A_111 = arith.constant 0.000000e+00 : f32
      %broadcast_in_dim3A_112 = vector.broadcast %broadcast_in_dim3A_111 : f32 to vector<16xf32>
      %swap3A_113 = arith.index_cast %scan3A_96 : i32 to index
      %swap3A_114 = arith.constant 48 : index
      %swap3A_115 = tpu.vector_load %arg12[%swap3A_113, %swap3A_114] {strides = array<i32>} : memref<128x128xf32, #tpu.memory_space<vmem>>, vector<16xf32>,
      tpu.vector_store %arg12[%swap3A_113, %swap3A_114], %broadcast_in_dim3A_112 {strides = array<i32>} : memref<128x128xf32, #tpu.memory_space<vmem>>, vector<16xf32>,
      %broadcast_in_dim3A_116 = arith.constant 0.000000e+00 : f32
      %broadcast_in_dim3A_117 = vector.broadcast %broadcast_in_dim3A_116 : f32 to vector<16xf32>
      %swap3A_118 = arith.index_cast %scan3A_96 : i32 to index
      %swap3A_119 = arith.constant 64 : index
      %swap3A_120 = tpu.vector_load %arg12[%swap3A_118, %swap3A_119] {strides = array<i32>} : memref<128x128xf32, #tpu.memory_space<vmem>>, vector<16xf32>,
      tpu.vector_store %arg12[%swap3A_118, %swap3A_119], %broadcast_in_dim3A_117 {strides = array<i32>} : memref<128x128xf32, #tpu.memory_space<vmem>>, vector<16xf32>,
      %broadcast_in_dim3A_121 = arith.constant 0.000000e+00 : f32
      %broadcast_in_dim3A_122 = vector.broadcast %broadcast_in_dim3A_121 : f32 to vector<16xf32>
      %swap3A_123 = arith.index_cast %scan3A_96 : i32 to index
      %swap3A_124 = arith.constant 80 : index
      %swap3A_125 = tpu.vector_load %arg12[%swap3A_123, %swap3A_124] {strides = array<i32>} : memref<128x128xf32, #tpu.memory_space<vmem>>, vector<16xf32>,
      tpu.vector_store %arg12[%swap3A_123, %swap3A_124], %broadcast_in_dim3A_122 {strides = array<i32>} : memref<128x128xf32, #tpu.memory_space<vmem>>, vector<16xf32>,
      %broadcast_in_dim3A_126 = arith.constant 0.000000e+00 : f32
      %broadcast_in_dim3A_127 = vector.broadcast %broadcast_in_dim3A_126 : f32 to vector<16xf32>
      %swap3A_128 = arith.index_cast %scan3A_96 : i32 to index
      %swap3A_129 = arith.constant 96 : index
      %swap3A_130 = tpu.vector_load %arg12[%swap3A_128, %swap3A_129] {strides = array<i32>} : memref<128x128xf32, #tpu.memory_space<vmem>>, vector<16xf32>,
      tpu.vector_store %arg12[%swap3A_128, %swap3A_129], %broadcast_in_dim3A_127 {strides = array<i32>} : memref<128x128xf32, #tpu.memory_space<vmem>>, vector<16xf32>,
      %broadcast_in_dim3A_131 = arith.constant 0.000000e+00 : f32
      %broadcast_in_dim3A_132 = vector.broadcast %broadcast_in_dim3A_131 : f32 to vector<16xf32>
      %swap3A_133 = arith.index_cast %scan3A_96 : i32 to index
      %swap3A_134 = arith.constant 112 : index
      %swap3A_135 = tpu.vector_load %arg12[%swap3A_133, %swap3A_134] {strides = array<i32>} : memref<128x128xf32, #tpu.memory_space<vmem>>, vector<16xf32>,
      tpu.vector_store %arg12[%swap3A_133, %swap3A_134], %broadcast_in_dim3A_132 {strides = array<i32>} : memref<128x128xf32, #tpu.memory_space<vmem>>, vector<16xf32>,
    }
    %scan3A_7 = arith.constant 128 : i32
    %scan3A_8 = arith.constant 0 : i32
    %scan3A_9 = arith.constant 0 : i32
    %scan3A_10 = arith.constant 4 : i32
    %scan3A_11 = arith.addi %scan3A_9, %scan3A_10 : i32
    %scan3A_12 = arith.constant 1 : i32
    scf.for %scan3A_96 = %scan3A_9 to %scan3A_11 step %scan3A_12  : i32 {
      %mul3A_97 = arith.constant 625 : i32
      %mul3A_98 = arith.muli %arg1, %mul3A_97 : i32
      %mul3A_99 = arith.constant 128 : i32
      %mul3A_100 = arith.muli %scan3A_96, %mul3A_99 : i32
      %add3A_101 = arith.addi %mul3A_98, %mul3A_100 : i32
      "tpu.region"() ({
        %run_scoped3A_102 = tpu.sem_alloc : memref<!tpu.dma_semaphore, #tpu.memory_space<semaphore_mem>>
        %dma_start3A_103 = arith.constant 0 : i32
        %dma_start3A_104 = tpu.memref_slice %arg6[%add3A_101, %dma_start3A_103] : memref<10000x128xf32, #tpu.memory_space<vmem_shared>> -> memref<128x128xf32, #tpu.memory_space<vmem_shared>>
        %dma_start3A_105 = arith.constant 0 : i32
        %dma_start3A_106 = tpu.memref_slice %arg6[%add3A_101, %dma_start3A_105] : memref<10000x128xf32, #tpu.memory_space<vmem_shared>> -> memref<128x128xf32, #tpu.memory_space<vmem_shared>>
        tpu.enqueue_dma source(%arg12 : memref<128x128xf32, #tpu.memory_space<vmem>>) target(%dma_start3A_106 : memref<128x128xf32, #tpu.memory_space<vmem_shared>>) target_semaphore(%run_scoped3A_102 : memref<!tpu.dma_semaphore, #tpu.memory_space<semaphore_mem>>)
        %dma_wait3A_107 = arith.constant 0 : i32
        %dma_wait3A_108 = tpu.memref_slice %arg6[%add3A_101, %dma_wait3A_107] : memref<10000x128xf32, #tpu.memory_space<vmem_shared>> -> memref<128x128xf32, #tpu.memory_space<vmem_shared>>
        %dma_wait3A_109 = arith.constant 0 : i32
        %dma_wait3A_110 = tpu.memref_slice %arg6[%add3A_101, %dma_wait3A_109] : memref<10000x128xf32, #tpu.memory_space<vmem_shared>> -> memref<128x128xf32, #tpu.memory_space<vmem_shared>>
        tpu.wait_dma2 semaphore(%run_scoped3A_102 : memref<!tpu.dma_semaphore, #tpu.memory_space<semaphore_mem>>) src(%arg12 : memref<128x128xf32, #tpu.memory_space<vmem>>) dst(%dma_wait3A_110 : memref<128x128xf32, #tpu.memory_space<vmem_shared>>)
        tpu.yield
      }) : () -> ()
    }
    %scan3A_13 = arith.constant 4 : i32
    %mul3A_14 = arith.constant 625 : i32
    %mul3A_15 = arith.muli %arg1, %mul3A_14 : i32
    %add3A_16 = arith.constant 512 : i32
    %add3A_17 = arith.addi %mul3A_15, %add3A_16 : i32
    "tpu.region"() ({
      %run_scoped3A_96 = tpu.sem_alloc : memref<!tpu.dma_semaphore, #tpu.memory_space<semaphore_mem>>
      %dma_start3A_97 = arith.constant 0 : i32
      %dma_start3A_98 = arith.constant 0 : i32
      %dma_start3A_99 = tpu.memref_slice %arg12[%dma_start3A_97, %dma_start3A_98] : memref<128x128xf32, #tpu.memory_space<vmem>> -> memref<113x128xf32, #tpu.memory_space<vmem>>
      %dma_start3A_100 = arith.constant 0 : i32
      %dma_start3A_101 = tpu.memref_slice %arg6[%add3A_17, %dma_start3A_100] : memref<10000x128xf32, #tpu.memory_space<vmem_shared>> -> memref<113x128xf32, #tpu.memory_space<vmem_shared>>
      %dma_start3A_102 = arith.constant 0 : i32
      %dma_start3A_103 = tpu.memref_slice %arg6[%add3A_17, %dma_start3A_102] : memref<10000x128xf32, #tpu.memory_space<vmem_shared>> -> memref<113x128xf32, #tpu.memory_space<vmem_shared>>
      %dma_start3A_104 = arith.constant 0 : i32
      %dma_start3A_105 = arith.constant 0 : i32
      %dma_start3A_106 = tpu.memref_slice %arg12[%dma_start3A_104, %dma_start3A_105] : memref<128x128xf32, #tpu.memory_space<vmem>> -> memref<113x128xf32, #tpu.memory_space<vmem>>
      tpu.enqueue_dma source(%dma_start3A_106 : memref<113x128xf32, #tpu.memory_space<vmem>>) target(%dma_start3A_103 : memref<113x128xf32, #tpu.memory_space<vmem_shared>>) target_semaphore(%run_scoped3A_96 : memref<!tpu.dma_semaphore, #tpu.memory_space<semaphore_mem>>)
      %dma_wait3A_107 = arith.constant 0 : i32
      %dma_wait3A_108 = arith.constant 0 : i32
      %dma_wait3A_109 = tpu.memref_slice %arg12[%dma_wait3A_107, %dma_wait3A_108] : memref<128x128xf32, #tpu.memory_space<vmem>> -> memref<113x128xf32, #tpu.memory_space<vmem>>
      %dma_wait3A_110 = arith.constant 0 : i32
      %dma_wait3A_111 = tpu.memref_slice %arg6[%add3A_17, %dma_wait3A_110] : memref<10000x128xf32, #tpu.memory_space<vmem_shared>> -> memref<113x128xf32, #tpu.memory_space<vmem_shared>>
      %dma_wait3A_112 = arith.constant 0 : i32
      %dma_wait3A_113 = tpu.memref_slice %arg6[%add3A_17, %dma_wait3A_112] : memref<10000x128xf32, #tpu.memory_space<vmem_shared>> -> memref<113x128xf32, #tpu.memory_space<vmem_shared>>
      %dma_wait3A_114 = arith.constant 0 : i32
      %dma_wait3A_115 = arith.constant 0 : i32
      %dma_wait3A_116 = tpu.memref_slice %arg12[%dma_wait3A_114, %dma_wait3A_115] : memref<128x128xf32, #tpu.memory_space<vmem>> -> memref<113x128xf32, #tpu.memory_space<vmem>>
      tpu.wait_dma2 semaphore(%run_scoped3A_96 : memref<!tpu.dma_semaphore, #tpu.memory_space<semaphore_mem>>) src(%dma_wait3A_116 : memref<113x128xf32, #tpu.memory_space<vmem>>) dst(%dma_wait3A_113 : memref<113x128xf32, #tpu.memory_space<vmem_shared>>)
      tpu.yield
    }) : () -> ()
    %scan3A_18 = arith.constant 0 : i32
    %scan3A_19 = arith.constant 0 : i32
    %scan3A_20 = arith.constant 625 : i32
    %scan3A_21 = arith.addi %scan3A_19, %scan3A_20 : i32
    %scan3A_22 = arith.constant 1 : i32
    scf.for %scan3A_96 = %scan3A_19 to %scan3A_21 step %scan3A_22  : i32 {
      %broadcast_in_dim3A_97 = arith.constant 0.000000e+00 : f32
      %broadcast_in_dim3A_98 = vector.broadcast %broadcast_in_dim3A_97 : f32 to vector<16xf32>
      %swap3A = arith.index_cast %scan3A_96 : i32 to index
      %swap3A_99 = arith.constant 0 : index
      %swap3A_100 = tpu.vector_load %arg7[%swap3A, %swap3A_99] {strides = array<i32>} : memref<625x16xf32, #tpu.memory_space<vmem>>, vector<16xf32>,
      tpu.vector_store %arg7[%swap3A, %swap3A_99], %broadcast_in_dim3A_98 {strides = array<i32>} : memref<625x16xf32, #tpu.memory_space<vmem>>, vector<16xf32>,
    }
    %scan3A_23 = arith.constant 625 : i32
    %barrier3A = arith.constant 0 : index
    tpu.barrier barrier_id(%barrier3A)
    %run_scoped3A = arith.constant 0 : i32
    "tpu.region"() ({
      %run_scoped3A_96 = tpu.sem_alloc : memref<!tpu.dma_semaphore, #tpu.memory_space<semaphore_mem>>
      %dma_start3A_97 = arith.constant 0 : i32
      %dma_start3A_98 = tpu.memref_slice %arg3[%run_scoped3A, %dma_start3A_97] : memref<2x320000xi32, #tpu.memory_space<hbm>> -> memref<1x320000xi32, #tpu.memory_space<hbm>>
      %dma_start3A_99 = tpu.memref_squeeze %dma_start3A_98 : memref<1x320000xi32, #tpu.memory_space<hbm>> -> memref<320000xi32, #tpu.memory_space<hbm>>
      %dma_start3A_100 = tpu.memref_slice %dma_start3A_99[%mul3A_2] : memref<320000xi32, #tpu.memory_space<hbm>> -> memref<128xi32, #tpu.memory_space<hbm>>
      %dma_start3A_101 = arith.constant 0 : i32
      %dma_start3A_102 = tpu.memref_slice %arg3[%run_scoped3A, %dma_start3A_101] : memref<2x320000xi32, #tpu.memory_space<hbm>> -> memref<1x320000xi32, #tpu.memory_space<hbm>>
      %dma_start3A_103 = tpu.memref_squeeze %dma_start3A_102 : memref<1x320000xi32, #tpu.memory_space<hbm>> -> memref<320000xi32, #tpu.memory_space<hbm>>
      %dma_start3A_104 = tpu.memref_slice %dma_start3A_103[%mul3A_2] : memref<320000xi32, #tpu.memory_space<hbm>> -> memref<128xi32, #tpu.memory_space<hbm>>
      tpu.enqueue_dma source(%dma_start3A_104 : memref<128xi32, #tpu.memory_space<hbm>>) target(%arg8 : memref<128xi32, #tpu.memory_space<vmem>>) target_semaphore(%run_scoped3A_96 : memref<!tpu.dma_semaphore, #tpu.memory_space<semaphore_mem>>)
      %dma_wait3A_105 = arith.constant 0 : i32
      %dma_wait3A_106 = tpu.memref_slice %arg3[%run_scoped3A, %dma_wait3A_105] : memref<2x320000xi32, #tpu.memory_space<hbm>> -> memref<1x320000xi32, #tpu.memory_space<hbm>>
      %dma_wait3A_107 = tpu.memref_squeeze %dma_wait3A_106 : memref<1x320000xi32, #tpu.memory_space<hbm>> -> memref<320000xi32, #tpu.memory_space<hbm>>
      %dma_wait3A_108 = tpu.memref_slice %dma_wait3A_107[%mul3A_2] : memref<320000xi32, #tpu.memory_space<hbm>> -> memref<128xi32, #tpu.memory_space<hbm>>
      %dma_wait3A_109 = arith.constant 0 : i32
      %dma_wait3A_110 = tpu.memref_slice %arg3[%run_scoped3A, %dma_wait3A_109] : memref<2x320000xi32, #tpu.memory_space<hbm>> -> memref<1x320000xi32, #tpu.memory_space<hbm>>
      %dma_wait3A_111 = tpu.memref_squeeze %dma_wait3A_110 : memref<1x320000xi32, #tpu.memory_space<hbm>> -> memref<320000xi32, #tpu.memory_space<hbm>>
      %dma_wait3A_112 = tpu.memref_slice %dma_wait3A_111[%mul3A_2] : memref<320000xi32, #tpu.memory_space<hbm>> -> memref<128xi32, #tpu.memory_space<hbm>>
      tpu.wait_dma2 semaphore(%run_scoped3A_96 : memref<!tpu.dma_semaphore, #tpu.memory_space<semaphore_mem>>) src(%dma_wait3A_112 : memref<128xi32, #tpu.memory_space<hbm>>) dst(%arg8 : memref<128xi32, #tpu.memory_space<vmem>>)
      tpu.yield
    }) : () -> ()
    %run_scoped3A_24 = arith.constant 1 : i32
    "tpu.region"() ({
      %run_scoped3A_96 = tpu.sem_alloc : memref<!tpu.dma_semaphore, #tpu.memory_space<semaphore_mem>>
      %dma_start3A_97 = arith.constant 0 : i32
      %dma_start3A_98 = tpu.memref_slice %arg3[%run_scoped3A_24, %dma_start3A_97] : memref<2x320000xi32, #tpu.memory_space<hbm>> -> memref<1x320000xi32, #tpu.memory_space<hbm>>
      %dma_start3A_99 = tpu.memref_squeeze %dma_start3A_98 : memref<1x320000xi32, #tpu.memory_space<hbm>> -> memref<320000xi32, #tpu.memory_space<hbm>>
      %dma_start3A_100 = tpu.memref_slice %dma_start3A_99[%mul3A_2] : memref<320000xi32, #tpu.memory_space<hbm>> -> memref<128xi32, #tpu.memory_space<hbm>>
      %dma_start3A_101 = arith.constant 0 : i32
      %dma_start3A_102 = tpu.memref_slice %arg3[%run_scoped3A_24, %dma_start3A_101] : memref<2x320000xi32, #tpu.memory_space<hbm>> -> memref<1x320000xi32, #tpu.memory_space<hbm>>
      %dma_start3A_103 = tpu.memref_squeeze %dma_start3A_102 : memref<1x320000xi32, #tpu.memory_space<hbm>> -> memref<320000xi32, #tpu.memory_space<hbm>>
      %dma_start3A_104 = tpu.memref_slice %dma_start3A_103[%mul3A_2] : memref<320000xi32, #tpu.memory_space<hbm>> -> memref<128xi32, #tpu.memory_space<hbm>>
      tpu.enqueue_dma source(%dma_start3A_104 : memref<128xi32, #tpu.memory_space<hbm>>) target(%arg10 : memref<128xi32, #tpu.memory_space<vmem>>) target_semaphore(%run_scoped3A_96 : memref<!tpu.dma_semaphore, #tpu.memory_space<semaphore_mem>>)
      %dma_wait3A_105 = arith.constant 0 : i32
      %dma_wait3A_106 = tpu.memref_slice %arg3[%run_scoped3A_24, %dma_wait3A_105] : memref<2x320000xi32, #tpu.memory_space<hbm>> -> memref<1x320000xi32, #tpu.memory_space<hbm>>
      %dma_wait3A_107 = tpu.memref_squeeze %dma_wait3A_106 : memref<1x320000xi32, #tpu.memory_space<hbm>> -> memref<320000xi32, #tpu.memory_space<hbm>>
      %dma_wait3A_108 = tpu.memref_slice %dma_wait3A_107[%mul3A_2] : memref<320000xi32, #tpu.memory_space<hbm>> -> memref<128xi32, #tpu.memory_space<hbm>>
      %dma_wait3A_109 = arith.constant 0 : i32
      %dma_wait3A_110 = tpu.memref_slice %arg3[%run_scoped3A_24, %dma_wait3A_109] : memref<2x320000xi32, #tpu.memory_space<hbm>> -> memref<1x320000xi32, #tpu.memory_space<hbm>>
      %dma_wait3A_111 = tpu.memref_squeeze %dma_wait3A_110 : memref<1x320000xi32, #tpu.memory_space<hbm>> -> memref<320000xi32, #tpu.memory_space<hbm>>
      %dma_wait3A_112 = tpu.memref_slice %dma_wait3A_111[%mul3A_2] : memref<320000xi32, #tpu.memory_space<hbm>> -> memref<128xi32, #tpu.memory_space<hbm>>
      tpu.wait_dma2 semaphore(%run_scoped3A_96 : memref<!tpu.dma_semaphore, #tpu.memory_space<semaphore_mem>>) src(%dma_wait3A_112 : memref<128xi32, #tpu.memory_space<hbm>>) dst(%arg10 : memref<128xi32, #tpu.memory_space<vmem>>)
      tpu.yield
    }) : () -> ()
    %dma_start3A = arith.constant 0 : i32
    %dma_start3A_25 = arith.constant 0 : i32
    %dma_start3A_26 = tpu.memref_slice %arg2[%dma_start3A, %dma_start3A_25] : memref<10000x128xf32, #tpu.memory_space<hbm>> -> memref<10000x128xf32, #tpu.memory_space<hbm>>
    tpu.enqueue_indirect_dma source(%dma_start3A_26 : memref<10000x128xf32, #tpu.memory_space<hbm>>) target(%arg12 : memref<128x128xf32, #tpu.memory_space<vmem>>) offsets(%arg8 : memref<128xi32, #tpu.memory_space<vmem>>) semaphore(%arg14 : memref<!tpu.dma_semaphore, #tpu.memory_space<semaphore_mem>>)
    %add3A_27 = arith.constant 128 : i32
    %add3A_28 = arith.addi %mul3A_2, %add3A_27 : i32
    %dma_start3A_29 = arith.constant 0 : i32
    %dma_start3A_30 = arith.constant 0 : i32
    %dma_start3A_31 = tpu.memref_slice %arg3[%dma_start3A_29, %dma_start3A_30] : memref<2x320000xi32, #tpu.memory_space<hbm>> -> memref<1x320000xi32, #tpu.memory_space<hbm>>
    %dma_start3A_32 = tpu.memref_squeeze %dma_start3A_31 : memref<1x320000xi32, #tpu.memory_space<hbm>> -> memref<320000xi32, #tpu.memory_space<hbm>>
    %dma_start3A_33 = tpu.memref_slice %dma_start3A_32[%add3A_28] : memref<320000xi32, #tpu.memory_space<hbm>> -> memref<128xi32, #tpu.memory_space<hbm>>
    %dma_start3A_34 = arith.constant 0 : i32
    %dma_start3A_35 = tpu.memref_slice %arg3[%dma_start3A_29, %dma_start3A_34] : memref<2x320000xi32, #tpu.memory_space<hbm>> -> memref<1x320000xi32, #tpu.memory_space<hbm>>
    %dma_start3A_36 = tpu.memref_squeeze %dma_start3A_35 : memref<1x320000xi32, #tpu.memory_space<hbm>> -> memref<320000xi32, #tpu.memory_space<hbm>>
    %dma_start3A_37 = tpu.memref_slice %dma_start3A_36[%add3A_28] : memref<320000xi32, #tpu.memory_space<hbm>> -> memref<128xi32, #tpu.memory_space<hbm>>
    tpu.enqueue_dma source(%dma_start3A_37 : memref<128xi32, #tpu.memory_space<hbm>>) target(%arg9 : memref<128xi32, #tpu.memory_space<vmem>>) target_semaphore(%arg17 : memref<!tpu.dma_semaphore, #tpu.memory_space<semaphore_mem>>)
    %add3A_38 = arith.constant 128 : i32
    %add3A_39 = arith.addi %mul3A_2, %add3A_38 : i32
    %dma_start3A_40 = arith.constant 1 : i32
    %dma_start3A_41 = arith.constant 0 : i32
    %dma_start3A_42 = tpu.memref_slice %arg3[%dma_start3A_40, %dma_start3A_41] : memref<2x320000xi32, #tpu.memory_space<hbm>> -> memref<1x320000xi32, #tpu.memory_space<hbm>>
    %dma_start3A_43 = tpu.memref_squeeze %dma_start3A_42 : memref<1x320000xi32, #tpu.memory_space<hbm>> -> memref<320000xi32, #tpu.memory_space<hbm>>
    %dma_start3A_44 = tpu.memref_slice %dma_start3A_43[%add3A_39] : memref<320000xi32, #tpu.memory_space<hbm>> -> memref<128xi32, #tpu.memory_space<hbm>>
    %dma_start3A_45 = arith.constant 0 : i32
    %dma_start3A_46 = tpu.memref_slice %arg3[%dma_start3A_40, %dma_start3A_45] : memref<2x320000xi32, #tpu.memory_space<hbm>> -> memref<1x320000xi32, #tpu.memory_space<hbm>>
    %dma_start3A_47 = tpu.memref_squeeze %dma_start3A_46 : memref<1x320000xi32, #tpu.memory_space<hbm>> -> memref<320000xi32, #tpu.memory_space<hbm>>
    %dma_start3A_48 = tpu.memref_slice %dma_start3A_47[%add3A_39] : memref<320000xi32, #tpu.memory_space<hbm>> -> memref<128xi32, #tpu.memory_space<hbm>>
    tpu.enqueue_dma source(%dma_start3A_48 : memref<128xi32, #tpu.memory_space<hbm>>) target(%arg11 : memref<128xi32, #tpu.memory_space<vmem>>) target_semaphore(%arg17 : memref<!tpu.dma_semaphore, #tpu.memory_space<semaphore_mem>>)
    %broadcast_in_dim3A = arith.constant 1.000000e+00 : f32
    %broadcast_in_dim3A_49 = vector.broadcast %broadcast_in_dim3A : f32 to vector<16xf32>
    %scan3A_50 = arith.constant 0 : i32
    %scan3A_51 = arith.constant 0 : i32
    %scan3A_52 = arith.constant 1 : i32
    %scan3A_53 = arith.constant 0 : i32
    %scan3A_54 = arith.constant 39 : i32
    %scan3A_55 = arith.addi %scan3A_53, %scan3A_54 : i32
    %scan3A_56 = arith.constant 1 : i32
    scf.for %scan3A_96 = %scan3A_53 to %scan3A_55 step %scan3A_56  : i32 {
      %mul3A_97 = arith.constant 2 : i32
      %mul3A_98 = arith.muli %scan3A_96, %mul3A_97 : i32
      %add3A_99 = arith.constant 0 : i32
      %add3A_100 = arith.addi %mul3A_98, %add3A_99 : i32
      %get3A = arith.constant 0 : index
      %get3A_101 = tpu.vector_load %arg10[%get3A] {strides = array<i32>} : memref<128xi32, #tpu.memory_space<vmem>>, vector<16xi32>,
      %shift_right_logical3A = arith.constant 4 : i32
      %shift_right_logical3A_102 = vector.broadcast %shift_right_logical3A : i32 to vector<16xi32>
      %shift_right_logical3A_103 = arith.shrui %get3A_101, %shift_right_logical3A_102 : vector<16xi32>
      %and3A = arith.constant 15 : i32
      %and3A_104 = vector.broadcast %and3A : i32 to vector<16xi32>
      %and3A_105 = arith.andi %get3A_101, %and3A_104 : vector<16xi32>
      tpu.vector_store_idx %arg7[%shift_right_logical3A_103, %and3A_105], %broadcast_in_dim3A_49 {add = true} : memref<625x16xf32, #tpu.memory_space<vmem>>[vector<16xi32>, vector<16xi32>], vector<16xf32>,
      %get3A_106 = arith.constant 16 : index
      %get3A_107 = tpu.vector_load %arg10[%get3A_106] {strides = array<i32>} : memref<128xi32, #tpu.memory_space<vmem>>, vector<16xi32>,
      %shift_right_logical3A_108 = arith.constant 4 : i32
      %shift_right_logical3A_109 = vector.broadcast %shift_right_logical3A_108 : i32 to vector<16xi32>
      %shift_right_logical3A_110 = arith.shrui %get3A_107, %shift_right_logical3A_109 : vector<16xi32>
      %and3A_111 = arith.constant 15 : i32
      %and3A_112 = vector.broadcast %and3A_111 : i32 to vector<16xi32>
      %and3A_113 = arith.andi %get3A_107, %and3A_112 : vector<16xi32>
      tpu.vector_store_idx %arg7[%shift_right_logical3A_110, %and3A_113], %broadcast_in_dim3A_49 {add = true} : memref<625x16xf32, #tpu.memory_space<vmem>>[vector<16xi32>, vector<16xi32>], vector<16xf32>,
      %get3A_114 = arith.constant 32 : index
      %get3A_115 = tpu.vector_load %arg10[%get3A_114] {strides = array<i32>} : memref<128xi32, #tpu.memory_space<vmem>>, vector<16xi32>,
      %shift_right_logical3A_116 = arith.constant 4 : i32
      %shift_right_logical3A_117 = vector.broadcast %shift_right_logical3A_116 : i32 to vector<16xi32>
      %shift_right_logical3A_118 = arith.shrui %get3A_115, %shift_right_logical3A_117 : vector<16xi32>
      %and3A_119 = arith.constant 15 : i32
      %and3A_120 = vector.broadcast %and3A_119 : i32 to vector<16xi32>
      %and3A_121 = arith.andi %get3A_115, %and3A_120 : vector<16xi32>
      tpu.vector_store_idx %arg7[%shift_right_logical3A_118, %and3A_121], %broadcast_in_dim3A_49 {add = true} : memref<625x16xf32, #tpu.memory_space<vmem>>[vector<16xi32>, vector<16xi32>], vector<16xf32>,
      %get3A_122 = arith.constant 48 : index
      %get3A_123 = tpu.vector_load %arg10[%get3A_122] {strides = array<i32>} : memref<128xi32, #tpu.memory_space<vmem>>, vector<16xi32>,
      %shift_right_logical3A_124 = arith.constant 4 : i32
      %shift_right_logical3A_125 = vector.broadcast %shift_right_logical3A_124 : i32 to vector<16xi32>
      %shift_right_logical3A_126 = arith.shrui %get3A_123, %shift_right_logical3A_125 : vector<16xi32>
      %and3A_127 = arith.constant 15 : i32
      %and3A_128 = vector.broadcast %and3A_127 : i32 to vector<16xi32>
      %and3A_129 = arith.andi %get3A_123, %and3A_128 : vector<16xi32>
      tpu.vector_store_idx %arg7[%shift_right_logical3A_126, %and3A_129], %broadcast_in_dim3A_49 {add = true} : memref<625x16xf32, #tpu.memory_space<vmem>>[vector<16xi32>, vector<16xi32>], vector<16xf32>,
      %get3A_130 = arith.constant 64 : index
      %get3A_131 = tpu.vector_load %arg10[%get3A_130] {strides = array<i32>} : memref<128xi32, #tpu.memory_space<vmem>>, vector<16xi32>,
      %shift_right_logical3A_132 = arith.constant 4 : i32
      %shift_right_logical3A_133 = vector.broadcast %shift_right_logical3A_132 : i32 to vector<16xi32>
      %shift_right_logical3A_134 = arith.shrui %get3A_131, %shift_right_logical3A_133 : vector<16xi32>
      %and3A_135 = arith.constant 15 : i32
      %and3A_136 = vector.broadcast %and3A_135 : i32 to vector<16xi32>
      %and3A_137 = arith.andi %get3A_131, %and3A_136 : vector<16xi32>
      tpu.vector_store_idx %arg7[%shift_right_logical3A_134, %and3A_137], %broadcast_in_dim3A_49 {add = true} : memref<625x16xf32, #tpu.memory_space<vmem>>[vector<16xi32>, vector<16xi32>], vector<16xf32>,
      %get3A_138 = arith.constant 80 : index
      %get3A_139 = tpu.vector_load %arg10[%get3A_138] {strides = array<i32>} : memref<128xi32, #tpu.memory_space<vmem>>, vector<16xi32>,
      %shift_right_logical3A_140 = arith.constant 4 : i32
      %shift_right_logical3A_141 = vector.broadcast %shift_right_logical3A_140 : i32 to vector<16xi32>
      %shift_right_logical3A_142 = arith.shrui %get3A_139, %shift_right_logical3A_141 : vector<16xi32>
      %and3A_143 = arith.constant 15 : i32
      %and3A_144 = vector.broadcast %and3A_143 : i32 to vector<16xi32>
      %and3A_145 = arith.andi %get3A_139, %and3A_144 : vector<16xi32>
      tpu.vector_store_idx %arg7[%shift_right_logical3A_142, %and3A_145], %broadcast_in_dim3A_49 {add = true} : memref<625x16xf32, #tpu.memory_space<vmem>>[vector<16xi32>, vector<16xi32>], vector<16xf32>,
      %get3A_146 = arith.constant 96 : index
      %get3A_147 = tpu.vector_load %arg10[%get3A_146] {strides = array<i32>} : memref<128xi32, #tpu.memory_space<vmem>>, vector<16xi32>,
      %shift_right_logical3A_148 = arith.constant 4 : i32
      %shift_right_logical3A_149 = vector.broadcast %shift_right_logical3A_148 : i32 to vector<16xi32>
      %shift_right_logical3A_150 = arith.shrui %get3A_147, %shift_right_logical3A_149 : vector<16xi32>
      %and3A_151 = arith.constant 15 : i32
      %and3A_152 = vector.broadcast %and3A_151 : i32 to vector<16xi32>
      %and3A_153 = arith.andi %get3A_147, %and3A_152 : vector<16xi32>
      tpu.vector_store_idx %arg7[%shift_right_logical3A_150, %and3A_153], %broadcast_in_dim3A_49 {add = true} : memref<625x16xf32, #tpu.memory_space<vmem>>[vector<16xi32>, vector<16xi32>], vector<16xf32>,
      %get3A_154 = arith.constant 112 : index
      %get3A_155 = tpu.vector_load %arg10[%get3A_154] {strides = array<i32>} : memref<128xi32, #tpu.memory_space<vmem>>, vector<16xi32>,
      %shift_right_logical3A_156 = arith.constant 4 : i32
      %shift_right_logical3A_157 = vector.broadcast %shift_right_logical3A_156 : i32 to vector<16xi32>
      %shift_right_logical3A_158 = arith.shrui %get3A_155, %shift_right_logical3A_157 : vector<16xi32>
      %and3A_159 = arith.constant 15 : i32
      %and3A_160 = vector.broadcast %and3A_159 : i32 to vector<16xi32>
      %and3A_161 = arith.andi %get3A_155, %and3A_160 : vector<16xi32>
      tpu.vector_store_idx %arg7[%shift_right_logical3A_158, %and3A_161], %broadcast_in_dim3A_49 {add = true} : memref<625x16xf32, #tpu.memory_space<vmem>>[vector<16xi32>, vector<16xi32>], vector<16xf32>,
      %lt3A_162 = arith.constant 77 : i32
      %lt3A_163 = arith.cmpi slt, %add3A_100, %lt3A_162 : i32
      %convert_element_type3A_164 = arith.extui %lt3A_163 : i1 to i32
      %cond3A_165 = arith.constant 0 : i32
      %cond3A_166 = arith.cmpi ne, %convert_element_type3A_164, %cond3A_165 : i32
      scf.if %cond3A_166 {
        %dma_wait3A_254 = arith.constant 0 : i32
        %dma_wait3A_255 = tpu.memref_slice %arg3[%scan3A_51, %dma_wait3A_254] : memref<2x320000xi32, #tpu.memory_space<hbm>> -> memref<1x320000xi32, #tpu.memory_space<hbm>>
        %dma_wait3A_256 = tpu.memref_squeeze %dma_wait3A_255 : memref<1x320000xi32, #tpu.memory_space<hbm>> -> memref<320000xi32, #tpu.memory_space<hbm>>
        %dma_wait3A_257 = tpu.memref_slice %dma_wait3A_256[%mul3A_2] : memref<320000xi32, #tpu.memory_space<hbm>> -> memref<128xi32, #tpu.memory_space<hbm>>
        %dma_wait3A_258 = arith.constant 0 : i32
        %dma_wait3A_259 = tpu.memref_slice %arg3[%scan3A_51, %dma_wait3A_258] : memref<2x320000xi32, #tpu.memory_space<hbm>> -> memref<1x320000xi32, #tpu.memory_space<hbm>>
        %dma_wait3A_260 = tpu.memref_squeeze %dma_wait3A_259 : memref<1x320000xi32, #tpu.memory_space<hbm>> -> memref<320000xi32, #tpu.memory_space<hbm>>
        %dma_wait3A_261 = tpu.memref_slice %dma_wait3A_260[%mul3A_2] : memref<320000xi32, #tpu.memory_space<hbm>> -> memref<128xi32, #tpu.memory_space<hbm>>
        tpu.wait_dma2 semaphore(%arg17 : memref<!tpu.dma_semaphore, #tpu.memory_space<semaphore_mem>>) src(%dma_wait3A_261 : memref<128xi32, #tpu.memory_space<hbm>>) dst(%arg9 : memref<128xi32, #tpu.memory_space<vmem>>)
        %dma_wait3A_262 = arith.constant 0 : i32
        %dma_wait3A_263 = tpu.memref_slice %arg3[%scan3A_52, %dma_wait3A_262] : memref<2x320000xi32, #tpu.memory_space<hbm>> -> memref<1x320000xi32, #tpu.memory_space<hbm>>
        %dma_wait3A_264 = tpu.memref_squeeze %dma_wait3A_263 : memref<1x320000xi32, #tpu.memory_space<hbm>> -> memref<320000xi32, #tpu.memory_space<hbm>>
        %dma_wait3A_265 = tpu.memref_slice %dma_wait3A_264[%mul3A_2] : memref<320000xi32, #tpu.memory_space<hbm>> -> memref<128xi32, #tpu.memory_space<hbm>>
        %dma_wait3A_266 = arith.constant 0 : i32
        %dma_wait3A_267 = tpu.memref_slice %arg3[%scan3A_52, %dma_wait3A_266] : memref<2x320000xi32, #tpu.memory_space<hbm>> -> memref<1x320000xi32, #tpu.memory_space<hbm>>
        %dma_wait3A_268 = tpu.memref_squeeze %dma_wait3A_267 : memref<1x320000xi32, #tpu.memory_space<hbm>> -> memref<320000xi32, #tpu.memory_space<hbm>>
        %dma_wait3A_269 = tpu.memref_slice %dma_wait3A_268[%mul3A_2] : memref<320000xi32, #tpu.memory_space<hbm>> -> memref<128xi32, #tpu.memory_space<hbm>>
        tpu.wait_dma2 semaphore(%arg17 : memref<!tpu.dma_semaphore, #tpu.memory_space<semaphore_mem>>) src(%dma_wait3A_269 : memref<128xi32, #tpu.memory_space<hbm>>) dst(%arg11 : memref<128xi32, #tpu.memory_space<vmem>>)
        %dma_start3A_270 = arith.constant 0 : i32
        %dma_start3A_271 = arith.constant 0 : i32
        %dma_start3A_272 = tpu.memref_slice %arg2[%dma_start3A_270, %dma_start3A_271] : memref<10000x128xf32, #tpu.memory_space<hbm>> -> memref<10000x128xf32, #tpu.memory_space<hbm>>
        tpu.enqueue_indirect_dma source(%dma_start3A_272 : memref<10000x128xf32, #tpu.memory_space<hbm>>) target(%arg13 : memref<128x128xf32, #tpu.memory_space<vmem>>) offsets(%arg9 : memref<128xi32, #tpu.memory_space<vmem>>) semaphore(%arg15 : memref<!tpu.dma_semaphore, #tpu.memory_space<semaphore_mem>>)
      } else {
      }
      %dma_wait3A_167 = arith.constant 0 : i32
      %dma_wait3A_168 = arith.constant 0 : i32
      %dma_wait3A_169 = tpu.memref_slice %arg2[%dma_wait3A_167, %dma_wait3A_168] : memref<10000x128xf32, #tpu.memory_space<hbm>> -> memref<10000x128xf32, #tpu.memory_space<hbm>>
      tpu.wait_indirect_dma semaphore(%arg14 : memref<!tpu.dma_semaphore, #tpu.memory_space<semaphore_mem>>) src(%dma_wait3A_169 : memref<10000x128xf32, #tpu.memory_space<hbm>>) dst(%arg12 : memref<128x128xf32, #tpu.memory_space<vmem>>)
      "tpu.region"() ({
        %run_scoped3A_254 = tpu.sem_alloc : memref<!tpu.dma_semaphore, #tpu.memory_space<semaphore_mem>>
        %dma_start3A_255 = arith.constant 0 : i32
        %dma_start3A_256 = arith.constant 0 : i32
        %dma_start3A_257 = tpu.memref_slice %arg6[%dma_start3A_255, %dma_start3A_256] : memref<10000x128xf32, #tpu.memory_space<vmem_shared>> -> memref<10000x128xf32, #tpu.memory_space<vmem_shared>>
        tpu.enqueue_indirect_dma source(%arg12 : memref<128x128xf32, #tpu.memory_space<vmem>>) target(%dma_start3A_257 : memref<10000x128xf32, #tpu.memory_space<vmem_shared>>) offsets(%arg10 : memref<128xi32, #tpu.memory_space<vmem>>) semaphore(%run_scoped3A_254 : memref<!tpu.dma_semaphore, #tpu.memory_space<semaphore_mem>>) {add = true}
        %dma_wait3A_258 = arith.constant 0 : i32
        %dma_wait3A_259 = arith.constant 0 : i32
        %dma_wait3A_260 = tpu.memref_slice %arg6[%dma_wait3A_258, %dma_wait3A_259] : memref<10000x128xf32, #tpu.memory_space<vmem_shared>> -> memref<10000x128xf32, #tpu.memory_space<vmem_shared>>
        tpu.wait_indirect_dma semaphore(%run_scoped3A_254 : memref<!tpu.dma_semaphore, #tpu.memory_space<semaphore_mem>>) src(%arg12 : memref<128x128xf32, #tpu.memory_space<vmem>>) dst(%dma_wait3A_260 : memref<10000x128xf32, #tpu.memory_space<vmem_shared>>)
        tpu.yield
      }) : () -> ()
      %lt3A_170 = arith.constant 76 : i32
      %lt3A_171 = arith.cmpi slt, %add3A_100, %lt3A_170 : i32
      %convert_element_type3A_172 = arith.extui %lt3A_171 : i1 to i32
      %cond3A_173 = arith.constant 0 : i32
      %cond3A_174 = arith.cmpi ne, %convert_element_type3A_172, %cond3A_173 : i32
      scf.if %cond3A_174 {
        %add3A_254 = arith.constant 2 : i32
        %add3A_255 = arith.addi %add3A_100, %add3A_254 : i32
        %mul3A_256 = arith.constant 128 : i32
        %mul3A_257 = arith.muli %add3A_255, %mul3A_256 : i32
        %add3A_258 = arith.addi %mul3A_2, %mul3A_257 : i32
        %dma_start3A_259 = arith.constant 0 : i32
        %dma_start3A_260 = tpu.memref_slice %arg3[%scan3A_51, %dma_start3A_259] : memref<2x320000xi32, #tpu.memory_space<hbm>> -> memref<1x320000xi32, #tpu.memory_space<hbm>>
        %dma_start3A_261 = tpu.memref_squeeze %dma_start3A_260 : memref<1x320000xi32, #tpu.memory_space<hbm>> -> memref<320000xi32, #tpu.memory_space<hbm>>
        %dma_start3A_262 = tpu.memref_slice %dma_start3A_261[%add3A_258] : memref<320000xi32, #tpu.memory_space<hbm>> -> memref<128xi32, #tpu.memory_space<hbm>>
        %dma_start3A_263 = arith.constant 0 : i32
        %dma_start3A_264 = tpu.memref_slice %arg3[%scan3A_51, %dma_start3A_263] : memref<2x320000xi32, #tpu.memory_space<hbm>> -> memref<1x320000xi32, #tpu.memory_space<hbm>>
        %dma_start3A_265 = tpu.memref_squeeze %dma_start3A_264 : memref<1x320000xi32, #tpu.memory_space<hbm>> -> memref<320000xi32, #tpu.memory_space<hbm>>
        %dma_start3A_266 = tpu.memref_slice %dma_start3A_265[%add3A_258] : memref<320000xi32, #tpu.memory_space<hbm>> -> memref<128xi32, #tpu.memory_space<hbm>>
        tpu.enqueue_dma source(%dma_start3A_266 : memref<128xi32, #tpu.memory_space<hbm>>) target(%arg8 : memref<128xi32, #tpu.memory_space<vmem>>) target_semaphore(%arg16 : memref<!tpu.dma_semaphore, #tpu.memory_space<semaphore_mem>>)
        %dma_start3A_267 = arith.constant 0 : i32
        %dma_start3A_268 = tpu.memref_slice %arg3[%scan3A_52, %dma_start3A_267] : memref<2x320000xi32, #tpu.memory_space<hbm>> -> memref<1x320000xi32, #tpu.memory_space<hbm>>
        %dma_start3A_269 = tpu.memref_squeeze %dma_start3A_268 : memref<1x320000xi32, #tpu.memory_space<hbm>> -> memref<320000xi32, #tpu.memory_space<hbm>>
        %dma_start3A_270 = tpu.memref_slice %dma_start3A_269[%add3A_258] : memref<320000xi32, #tpu.memory_space<hbm>> -> memref<128xi32, #tpu.memory_space<hbm>>
        %dma_start3A_271 = arith.constant 0 : i32
        %dma_start3A_272 = tpu.memref_slice %arg3[%scan3A_52, %dma_start3A_271] : memref<2x320000xi32, #tpu.memory_space<hbm>> -> memref<1x320000xi32, #tpu.memory_space<hbm>>
        %dma_start3A_273 = tpu.memref_squeeze %dma_start3A_272 : memref<1x320000xi32, #tpu.memory_space<hbm>> -> memref<320000xi32, #tpu.memory_space<hbm>>
        %dma_start3A_274 = tpu.memref_slice %dma_start3A_273[%add3A_258] : memref<320000xi32, #tpu.memory_space<hbm>> -> memref<128xi32, #tpu.memory_space<hbm>>
        tpu.enqueue_dma source(%dma_start3A_274 : memref<128xi32, #tpu.memory_space<hbm>>) target(%arg10 : memref<128xi32, #tpu.memory_space<vmem>>) target_semaphore(%arg16 : memref<!tpu.dma_semaphore, #tpu.memory_space<semaphore_mem>>)
      } else {
      }
      %add3A_175 = arith.constant 1 : i32
      %add3A_176 = arith.addi %mul3A_98, %add3A_175 : i32
      %get3A_177 = arith.constant 0 : index
      %get3A_178 = tpu.vector_load %arg11[%get3A_177] {strides = array<i32>} : memref<128xi32, #tpu.memory_space<vmem>>, vector<16xi32>,
      %shift_right_logical3A_179 = arith.constant 4 : i32
      %shift_right_logical3A_180 = vector.broadcast %shift_right_logical3A_179 : i32 to vector<16xi32>
      %shift_right_logical3A_181 = arith.shrui %get3A_178, %shift_right_logical3A_180 : vector<16xi32>
      %and3A_182 = arith.constant 15 : i32
      %and3A_183 = vector.broadcast %and3A_182 : i32 to vector<16xi32>
      %and3A_184 = arith.andi %get3A_178, %and3A_183 : vector<16xi32>
      tpu.vector_store_idx %arg7[%shift_right_logical3A_181, %and3A_184], %broadcast_in_dim3A_49 {add = true} : memref<625x16xf32, #tpu.memory_space<vmem>>[vector<16xi32>, vector<16xi32>], vector<16xf32>,
      %get3A_185 = arith.constant 16 : index
      %get3A_186 = tpu.vector_load %arg11[%get3A_185] {strides = array<i32>} : memref<128xi32, #tpu.memory_space<vmem>>, vector<16xi32>,
      %shift_right_logical3A_187 = arith.constant 4 : i32
      %shift_right_logical3A_188 = vector.broadcast %shift_right_logical3A_187 : i32 to vector<16xi32>
      %shift_right_logical3A_189 = arith.shrui %get3A_186, %shift_right_logical3A_188 : vector<16xi32>
      %and3A_190 = arith.constant 15 : i32
      %and3A_191 = vector.broadcast %and3A_190 : i32 to vector<16xi32>
      %and3A_192 = arith.andi %get3A_186, %and3A_191 : vector<16xi32>
      tpu.vector_store_idx %arg7[%shift_right_logical3A_189, %and3A_192], %broadcast_in_dim3A_49 {add = true} : memref<625x16xf32, #tpu.memory_space<vmem>>[vector<16xi32>, vector<16xi32>], vector<16xf32>,
      %get3A_193 = arith.constant 32 : index
      %get3A_194 = tpu.vector_load %arg11[%get3A_193] {strides = array<i32>} : memref<128xi32, #tpu.memory_space<vmem>>, vector<16xi32>,
      %shift_right_logical3A_195 = arith.constant 4 : i32
      %shift_right_logical3A_196 = vector.broadcast %shift_right_logical3A_195 : i32 to vector<16xi32>
      %shift_right_logical3A_197 = arith.shrui %get3A_194, %shift_right_logical3A_196 : vector<16xi32>
      %and3A_198 = arith.constant 15 : i32
      %and3A_199 = vector.broadcast %and3A_198 : i32 to vector<16xi32>
      %and3A_200 = arith.andi %get3A_194, %and3A_199 : vector<16xi32>
      tpu.vector_store_idx %arg7[%shift_right_logical3A_197, %and3A_200], %broadcast_in_dim3A_49 {add = true} : memref<625x16xf32, #tpu.memory_space<vmem>>[vector<16xi32>, vector<16xi32>], vector<16xf32>,
      %get3A_201 = arith.constant 48 : index
      %get3A_202 = tpu.vector_load %arg11[%get3A_201] {strides = array<i32>} : memref<128xi32, #tpu.memory_space<vmem>>, vector<16xi32>,
      %shift_right_logical3A_203 = arith.constant 4 : i32
      %shift_right_logical3A_204 = vector.broadcast %shift_right_logical3A_203 : i32 to vector<16xi32>
      %shift_right_logical3A_205 = arith.shrui %get3A_202, %shift_right_logical3A_204 : vector<16xi32>
      %and3A_206 = arith.constant 15 : i32
      %and3A_207 = vector.broadcast %and3A_206 : i32 to vector<16xi32>
      %and3A_208 = arith.andi %get3A_202, %and3A_207 : vector<16xi32>
      tpu.vector_store_idx %arg7[%shift_right_logical3A_205, %and3A_208], %broadcast_in_dim3A_49 {add = true} : memref<625x16xf32, #tpu.memory_space<vmem>>[vector<16xi32>, vector<16xi32>], vector<16xf32>,
      %get3A_209 = arith.constant 64 : index
      %get3A_210 = tpu.vector_load %arg11[%get3A_209] {strides = array<i32>} : memref<128xi32, #tpu.memory_space<vmem>>, vector<16xi32>,
      %shift_right_logical3A_211 = arith.constant 4 : i32
      %shift_right_logical3A_212 = vector.broadcast %shift_right_logical3A_211 : i32 to vector<16xi32>
      %shift_right_logical3A_213 = arith.shrui %get3A_210, %shift_right_logical3A_212 : vector<16xi32>
      %and3A_214 = arith.constant 15 : i32
      %and3A_215 = vector.broadcast %and3A_214 : i32 to vector<16xi32>
      %and3A_216 = arith.andi %get3A_210, %and3A_215 : vector<16xi32>
      tpu.vector_store_idx %arg7[%shift_right_logical3A_213, %and3A_216], %broadcast_in_dim3A_49 {add = true} : memref<625x16xf32, #tpu.memory_space<vmem>>[vector<16xi32>, vector<16xi32>], vector<16xf32>,
      %get3A_217 = arith.constant 80 : index
      %get3A_218 = tpu.vector_load %arg11[%get3A_217] {strides = array<i32>} : memref<128xi32, #tpu.memory_space<vmem>>, vector<16xi32>,
      %shift_right_logical3A_219 = arith.constant 4 : i32
      %shift_right_logical3A_220 = vector.broadcast %shift_right_logical3A_219 : i32 to vector<16xi32>
      %shift_right_logical3A_221 = arith.shrui %get3A_218, %shift_right_logical3A_220 : vector<16xi32>
      %and3A_222 = arith.constant 15 : i32
      %and3A_223 = vector.broadcast %and3A_222 : i32 to vector<16xi32>
      %and3A_224 = arith.andi %get3A_218, %and3A_223 : vector<16xi32>
      tpu.vector_store_idx %arg7[%shift_right_logical3A_221, %and3A_224], %broadcast_in_dim3A_49 {add = true} : memref<625x16xf32, #tpu.memory_space<vmem>>[vector<16xi32>, vector<16xi32>], vector<16xf32>,
      %get3A_225 = arith.constant 96 : index
      %get3A_226 = tpu.vector_load %arg11[%get3A_225] {strides = array<i32>} : memref<128xi32, #tpu.memory_space<vmem>>, vector<16xi32>,
      %shift_right_logical3A_227 = arith.constant 4 : i32
      %shift_right_logical3A_228 = vector.broadcast %shift_right_logical3A_227 : i32 to vector<16xi32>
      %shift_right_logical3A_229 = arith.shrui %get3A_226, %shift_right_logical3A_228 : vector<16xi32>
      %and3A_230 = arith.constant 15 : i32
      %and3A_231 = vector.broadcast %and3A_230 : i32 to vector<16xi32>
      %and3A_232 = arith.andi %get3A_226, %and3A_231 : vector<16xi32>
      tpu.vector_store_idx %arg7[%shift_right_logical3A_229, %and3A_232], %broadcast_in_dim3A_49 {add = true} : memref<625x16xf32, #tpu.memory_space<vmem>>[vector<16xi32>, vector<16xi32>], vector<16xf32>,
      %get3A_233 = arith.constant 112 : index
      %get3A_234 = tpu.vector_load %arg11[%get3A_233] {strides = array<i32>} : memref<128xi32, #tpu.memory_space<vmem>>, vector<16xi32>,
      %shift_right_logical3A_235 = arith.constant 4 : i32
      %shift_right_logical3A_236 = vector.broadcast %shift_right_logical3A_235 : i32 to vector<16xi32>
      %shift_right_logical3A_237 = arith.shrui %get3A_234, %shift_right_logical3A_236 : vector<16xi32>
      %and3A_238 = arith.constant 15 : i32
      %and3A_239 = vector.broadcast %and3A_238 : i32 to vector<16xi32>
      %and3A_240 = arith.andi %get3A_234, %and3A_239 : vector<16xi32>
      tpu.vector_store_idx %arg7[%shift_right_logical3A_237, %and3A_240], %broadcast_in_dim3A_49 {add = true} : memref<625x16xf32, #tpu.memory_space<vmem>>[vector<16xi32>, vector<16xi32>], vector<16xf32>,
      %lt3A_241 = arith.constant 77 : i32
      %lt3A_242 = arith.cmpi slt, %add3A_176, %lt3A_241 : i32
      %convert_element_type3A_243 = arith.extui %lt3A_242 : i1 to i32
      %cond3A_244 = arith.constant 0 : i32
      %cond3A_245 = arith.cmpi ne, %convert_element_type3A_243, %cond3A_244 : i32
      scf.if %cond3A_245 {
        %dma_wait3A_254 = arith.constant 0 : i32
        %dma_wait3A_255 = tpu.memref_slice %arg3[%scan3A_51, %dma_wait3A_254] : memref<2x320000xi32, #tpu.memory_space<hbm>> -> memref<1x320000xi32, #tpu.memory_space<hbm>>
        %dma_wait3A_256 = tpu.memref_squeeze %dma_wait3A_255 : memref<1x320000xi32, #tpu.memory_space<hbm>> -> memref<320000xi32, #tpu.memory_space<hbm>>
        %dma_wait3A_257 = tpu.memref_slice %dma_wait3A_256[%mul3A_2] : memref<320000xi32, #tpu.memory_space<hbm>> -> memref<128xi32, #tpu.memory_space<hbm>>
        %dma_wait3A_258 = arith.constant 0 : i32
        %dma_wait3A_259 = tpu.memref_slice %arg3[%scan3A_51, %dma_wait3A_258] : memref<2x320000xi32, #tpu.memory_space<hbm>> -> memref<1x320000xi32, #tpu.memory_space<hbm>>
        %dma_wait3A_260 = tpu.memref_squeeze %dma_wait3A_259 : memref<1x320000xi32, #tpu.memory_space<hbm>> -> memref<320000xi32, #tpu.memory_space<hbm>>
        %dma_wait3A_261 = tpu.memref_slice %dma_wait3A_260[%mul3A_2] : memref<320000xi32, #tpu.memory_space<hbm>> -> memref<128xi32, #tpu.memory_space<hbm>>
        tpu.wait_dma2 semaphore(%arg16 : memref<!tpu.dma_semaphore, #tpu.memory_space<semaphore_mem>>) src(%dma_wait3A_261 : memref<128xi32, #tpu.memory_space<hbm>>) dst(%arg8 : memref<128xi32, #tpu.memory_space<vmem>>)
        %dma_wait3A_262 = arith.constant 0 : i32
        %dma_wait3A_263 = tpu.memref_slice %arg3[%scan3A_52, %dma_wait3A_262] : memref<2x320000xi32, #tpu.memory_space<hbm>> -> memref<1x320000xi32, #tpu.memory_space<hbm>>
        %dma_wait3A_264 = tpu.memref_squeeze %dma_wait3A_263 : memref<1x320000xi32, #tpu.memory_space<hbm>> -> memref<320000xi32, #tpu.memory_space<hbm>>
        %dma_wait3A_265 = tpu.memref_slice %dma_wait3A_264[%mul3A_2] : memref<320000xi32, #tpu.memory_space<hbm>> -> memref<128xi32, #tpu.memory_space<hbm>>
        %dma_wait3A_266 = arith.constant 0 : i32
        %dma_wait3A_267 = tpu.memref_slice %arg3[%scan3A_52, %dma_wait3A_266] : memref<2x320000xi32, #tpu.memory_space<hbm>> -> memref<1x320000xi32, #tpu.memory_space<hbm>>
        %dma_wait3A_268 = tpu.memref_squeeze %dma_wait3A_267 : memref<1x320000xi32, #tpu.memory_space<hbm>> -> memref<320000xi32, #tpu.memory_space<hbm>>
        %dma_wait3A_269 = tpu.memref_slice %dma_wait3A_268[%mul3A_2] : memref<320000xi32, #tpu.memory_space<hbm>> -> memref<128xi32, #tpu.memory_space<hbm>>
        tpu.wait_dma2 semaphore(%arg16 : memref<!tpu.dma_semaphore, #tpu.memory_space<semaphore_mem>>) src(%dma_wait3A_269 : memref<128xi32, #tpu.memory_space<hbm>>) dst(%arg10 : memref<128xi32, #tpu.memory_space<vmem>>)
        %dma_start3A_270 = arith.constant 0 : i32
        %dma_start3A_271 = arith.constant 0 : i32
        %dma_start3A_272 = tpu.memref_slice %arg2[%dma_start3A_270, %dma_start3A_271] : memref<10000x128xf32, #tpu.memory_space<hbm>> -> memref<10000x128xf32, #tpu.memory_space<hbm>>
        tpu.enqueue_indirect_dma source(%dma_start3A_272 : memref<10000x128xf32, #tpu.memory_space<hbm>>) target(%arg12 : memref<128x128xf32, #tpu.memory_space<vmem>>) offsets(%arg8 : memref<128xi32, #tpu.memory_space<vmem>>) semaphore(%arg14 : memref<!tpu.dma_semaphore, #tpu.memory_space<semaphore_mem>>)
      } else {
      }
      %dma_wait3A_246 = arith.constant 0 : i32
      %dma_wait3A_247 = arith.constant 0 : i32
      %dma_wait3A_248 = tpu.memref_slice %arg2[%dma_wait3A_246, %dma_wait3A_247] : memref<10000x128xf32, #tpu.memory_space<hbm>> -> memref<10000x128xf32, #tpu.memory_space<hbm>>
      tpu.wait_indirect_dma semaphore(%arg15 : memref<!tpu.dma_semaphore, #tpu.memory_space<semaphore_mem>>) src(%dma_wait3A_248 : memref<10000x128xf32, #tpu.memory_space<hbm>>) dst(%arg13 : memref<128x128xf32, #tpu.memory_space<vmem>>)
      "tpu.region"() ({
        %run_scoped3A_254 = tpu.sem_alloc : memref<!tpu.dma_semaphore, #tpu.memory_space<semaphore_mem>>
        %dma_start3A_255 = arith.constant 0 : i32
        %dma_start3A_256 = arith.constant 0 : i32
        %dma_start3A_257 = tpu.memref_slice %arg6[%dma_start3A_255, %dma_start3A_256] : memref<10000x128xf32, #tpu.memory_space<vmem_shared>> -> memref<10000x128xf32, #tpu.memory_space<vmem_shared>>
        tpu.enqueue_indirect_dma source(%arg13 : memref<128x128xf32, #tpu.memory_space<vmem>>) target(%dma_start3A_257 : memref<10000x128xf32, #tpu.memory_space<vmem_shared>>) offsets(%arg11 : memref<128xi32, #tpu.memory_space<vmem>>) semaphore(%run_scoped3A_254 : memref<!tpu.dma_semaphore, #tpu.memory_space<semaphore_mem>>) {add = true}
        %dma_wait3A_258 = arith.constant 0 : i32
        %dma_wait3A_259 = arith.constant 0 : i32
        %dma_wait3A_260 = tpu.memref_slice %arg6[%dma_wait3A_258, %dma_wait3A_259] : memref<10000x128xf32, #tpu.memory_space<vmem_shared>> -> memref<10000x128xf32, #tpu.memory_space<vmem_shared>>
        tpu.wait_indirect_dma semaphore(%run_scoped3A_254 : memref<!tpu.dma_semaphore, #tpu.memory_space<semaphore_mem>>) src(%arg13 : memref<128x128xf32, #tpu.memory_space<vmem>>) dst(%dma_wait3A_260 : memref<10000x128xf32, #tpu.memory_space<vmem_shared>>)
        tpu.yield
      }) : () -> ()
      %lt3A_249 = arith.constant 76 : i32
      %lt3A_250 = arith.cmpi slt, %add3A_176, %lt3A_249 : i32
      %convert_element_type3A_251 = arith.extui %lt3A_250 : i1 to i32
      %cond3A_252 = arith.constant 0 : i32
      %cond3A_253 = arith.cmpi ne, %convert_element_type3A_251, %cond3A_252 : i32
      scf.if %cond3A_253 {
        %add3A_254 = arith.constant 2 : i32
        %add3A_255 = arith.addi %add3A_176, %add3A_254 : i32
        %mul3A_256 = arith.constant 128 : i32
        %mul3A_257 = arith.muli %add3A_255, %mul3A_256 : i32
        %add3A_258 = arith.addi %mul3A_2, %mul3A_257 : i32
        %dma_start3A_259 = arith.constant 0 : i32
        %dma_start3A_260 = tpu.memref_slice %arg3[%scan3A_51, %dma_start3A_259] : memref<2x320000xi32, #tpu.memory_space<hbm>> -> memref<1x320000xi32, #tpu.memory_space<hbm>>
        %dma_start3A_261 = tpu.memref_squeeze %dma_start3A_260 : memref<1x320000xi32, #tpu.memory_space<hbm>> -> memref<320000xi32, #tpu.memory_space<hbm>>
        %dma_start3A_262 = tpu.memref_slice %dma_start3A_261[%add3A_258] : memref<320000xi32, #tpu.memory_space<hbm>> -> memref<128xi32, #tpu.memory_space<hbm>>
        %dma_start3A_263 = arith.constant 0 : i32
        %dma_start3A_264 = tpu.memref_slice %arg3[%scan3A_51, %dma_start3A_263] : memref<2x320000xi32, #tpu.memory_space<hbm>> -> memref<1x320000xi32, #tpu.memory_space<hbm>>
        %dma_start3A_265 = tpu.memref_squeeze %dma_start3A_264 : memref<1x320000xi32, #tpu.memory_space<hbm>> -> memref<320000xi32, #tpu.memory_space<hbm>>
        %dma_start3A_266 = tpu.memref_slice %dma_start3A_265[%add3A_258] : memref<320000xi32, #tpu.memory_space<hbm>> -> memref<128xi32, #tpu.memory_space<hbm>>
        tpu.enqueue_dma source(%dma_start3A_266 : memref<128xi32, #tpu.memory_space<hbm>>) target(%arg9 : memref<128xi32, #tpu.memory_space<vmem>>) target_semaphore(%arg17 : memref<!tpu.dma_semaphore, #tpu.memory_space<semaphore_mem>>)
        %dma_start3A_267 = arith.constant 0 : i32
        %dma_start3A_268 = tpu.memref_slice %arg3[%scan3A_52, %dma_start3A_267] : memref<2x320000xi32, #tpu.memory_space<hbm>> -> memref<1x320000xi32, #tpu.memory_space<hbm>>
        %dma_start3A_269 = tpu.memref_squeeze %dma_start3A_268 : memref<1x320000xi32, #tpu.memory_space<hbm>> -> memref<320000xi32, #tpu.memory_space<hbm>>
        %dma_start3A_270 = tpu.memref_slice %dma_start3A_269[%add3A_258] : memref<320000xi32, #tpu.memory_space<hbm>> -> memref<128xi32, #tpu.memory_space<hbm>>
        %dma_start3A_271 = arith.constant 0 : i32
        %dma_start3A_272 = tpu.memref_slice %arg3[%scan3A_52, %dma_start3A_271] : memref<2x320000xi32, #tpu.memory_space<hbm>> -> memref<1x320000xi32, #tpu.memory_space<hbm>>
        %dma_start3A_273 = tpu.memref_squeeze %dma_start3A_272 : memref<1x320000xi32, #tpu.memory_space<hbm>> -> memref<320000xi32, #tpu.memory_space<hbm>>
        %dma_start3A_274 = tpu.memref_slice %dma_start3A_273[%add3A_258] : memref<320000xi32, #tpu.memory_space<hbm>> -> memref<128xi32, #tpu.memory_space<hbm>>
        tpu.enqueue_dma source(%dma_start3A_274 : memref<128xi32, #tpu.memory_space<hbm>>) target(%arg11 : memref<128xi32, #tpu.memory_space<vmem>>) target_semaphore(%arg17 : memref<!tpu.dma_semaphore, #tpu.memory_space<semaphore_mem>>)
      } else {
      }
    }
    %scan3A_57 = arith.constant 39 : i32
    %lt3A = arith.constant 4 : i32
    %lt3A_58 = arith.cmpi slt, %add3A, %lt3A : i32
    %convert_element_type3A = arith.extui %lt3A_58 : i1 to i32
    %cond3A = arith.constant 0 : i32
    %cond3A_59 = arith.constant 1 : i32
    %cond3A_60 = arith.constant 0 : i32
    %cond3A_61 = arith.cmpi ne, %convert_element_type3A, %cond3A_60 : i32
    scf.if %cond3A_61 {
      %mul3A_96 = arith.constant 128 : i32
      %mul3A_97 = arith.muli %add3A, %mul3A_96 : i32
      %add3A_98 = arith.constant 319488 : i32
      %add3A_99 = arith.addi %add3A_98, %mul3A_97 : i32
      "tpu.region"() ({
        %run_scoped3A_167 = tpu.sem_alloc : memref<!tpu.dma_semaphore, #tpu.memory_space<semaphore_mem>>
        %dma_start3A_168 = arith.constant 0 : i32
        %dma_start3A_169 = tpu.memref_slice %arg3[%cond3A, %dma_start3A_168] : memref<2x320000xi32, #tpu.memory_space<hbm>> -> memref<1x320000xi32, #tpu.memory_space<hbm>>
        %dma_start3A_170 = tpu.memref_squeeze %dma_start3A_169 : memref<1x320000xi32, #tpu.memory_space<hbm>> -> memref<320000xi32, #tpu.memory_space<hbm>>
        %dma_start3A_171 = tpu.memref_slice %dma_start3A_170[%add3A_99] : memref<320000xi32, #tpu.memory_space<hbm>> -> memref<128xi32, #tpu.memory_space<hbm>>
        %dma_start3A_172 = arith.constant 0 : i32
        %dma_start3A_173 = tpu.memref_slice %arg3[%cond3A, %dma_start3A_172] : memref<2x320000xi32, #tpu.memory_space<hbm>> -> memref<1x320000xi32, #tpu.memory_space<hbm>>
        %dma_start3A_174 = tpu.memref_squeeze %dma_start3A_173 : memref<1x320000xi32, #tpu.memory_space<hbm>> -> memref<320000xi32, #tpu.memory_space<hbm>>
        %dma_start3A_175 = tpu.memref_slice %dma_start3A_174[%add3A_99] : memref<320000xi32, #tpu.memory_space<hbm>> -> memref<128xi32, #tpu.memory_space<hbm>>
        tpu.enqueue_dma source(%dma_start3A_175 : memref<128xi32, #tpu.memory_space<hbm>>) target(%arg8 : memref<128xi32, #tpu.memory_space<vmem>>) target_semaphore(%run_scoped3A_167 : memref<!tpu.dma_semaphore, #tpu.memory_space<semaphore_mem>>)
        %dma_wait3A_176 = arith.constant 0 : i32
        %dma_wait3A_177 = tpu.memref_slice %arg3[%cond3A, %dma_wait3A_176] : memref<2x320000xi32, #tpu.memory_space<hbm>> -> memref<1x320000xi32, #tpu.memory_space<hbm>>
        %dma_wait3A_178 = tpu.memref_squeeze %dma_wait3A_177 : memref<1x320000xi32, #tpu.memory_space<hbm>> -> memref<320000xi32, #tpu.memory_space<hbm>>
        %dma_wait3A_179 = tpu.memref_slice %dma_wait3A_178[%add3A_99] : memref<320000xi32, #tpu.memory_space<hbm>> -> memref<128xi32, #tpu.memory_space<hbm>>
        %dma_wait3A_180 = arith.constant 0 : i32
        %dma_wait3A_181 = tpu.memref_slice %arg3[%cond3A, %dma_wait3A_180] : memref<2x320000xi32, #tpu.memory_space<hbm>> -> memref<1x320000xi32, #tpu.memory_space<hbm>>
        %dma_wait3A_182 = tpu.memref_squeeze %dma_wait3A_181 : memref<1x320000xi32, #tpu.memory_space<hbm>> -> memref<320000xi32, #tpu.memory_space<hbm>>
        %dma_wait3A_183 = tpu.memref_slice %dma_wait3A_182[%add3A_99] : memref<320000xi32, #tpu.memory_space<hbm>> -> memref<128xi32, #tpu.memory_space<hbm>>
        tpu.wait_dma2 semaphore(%run_scoped3A_167 : memref<!tpu.dma_semaphore, #tpu.memory_space<semaphore_mem>>) src(%dma_wait3A_183 : memref<128xi32, #tpu.memory_space<hbm>>) dst(%arg8 : memref<128xi32, #tpu.memory_space<vmem>>)
        tpu.yield
      }) : () -> ()
      "tpu.region"() ({
        %run_scoped3A_167 = tpu.sem_alloc : memref<!tpu.dma_semaphore, #tpu.memory_space<semaphore_mem>>
        %dma_start3A_168 = arith.constant 0 : i32
        %dma_start3A_169 = tpu.memref_slice %arg3[%cond3A_59, %dma_start3A_168] : memref<2x320000xi32, #tpu.memory_space<hbm>> -> memref<1x320000xi32, #tpu.memory_space<hbm>>
        %dma_start3A_170 = tpu.memref_squeeze %dma_start3A_169 : memref<1x320000xi32, #tpu.memory_space<hbm>> -> memref<320000xi32, #tpu.memory_space<hbm>>
        %dma_start3A_171 = tpu.memref_slice %dma_start3A_170[%add3A_99] : memref<320000xi32, #tpu.memory_space<hbm>> -> memref<128xi32, #tpu.memory_space<hbm>>
        %dma_start3A_172 = arith.constant 0 : i32
        %dma_start3A_173 = tpu.memref_slice %arg3[%cond3A_59, %dma_start3A_172] : memref<2x320000xi32, #tpu.memory_space<hbm>> -> memref<1x320000xi32, #tpu.memory_space<hbm>>
        %dma_start3A_174 = tpu.memref_squeeze %dma_start3A_173 : memref<1x320000xi32, #tpu.memory_space<hbm>> -> memref<320000xi32, #tpu.memory_space<hbm>>
        %dma_start3A_175 = tpu.memref_slice %dma_start3A_174[%add3A_99] : memref<320000xi32, #tpu.memory_space<hbm>> -> memref<128xi32, #tpu.memory_space<hbm>>
        tpu.enqueue_dma source(%dma_start3A_175 : memref<128xi32, #tpu.memory_space<hbm>>) target(%arg10 : memref<128xi32, #tpu.memory_space<vmem>>) target_semaphore(%run_scoped3A_167 : memref<!tpu.dma_semaphore, #tpu.memory_space<semaphore_mem>>)
        %dma_wait3A_176 = arith.constant 0 : i32
        %dma_wait3A_177 = tpu.memref_slice %arg3[%cond3A_59, %dma_wait3A_176] : memref<2x320000xi32, #tpu.memory_space<hbm>> -> memref<1x320000xi32, #tpu.memory_space<hbm>>
        %dma_wait3A_178 = tpu.memref_squeeze %dma_wait3A_177 : memref<1x320000xi32, #tpu.memory_space<hbm>> -> memref<320000xi32, #tpu.memory_space<hbm>>
        %dma_wait3A_179 = tpu.memref_slice %dma_wait3A_178[%add3A_99] : memref<320000xi32, #tpu.memory_space<hbm>> -> memref<128xi32, #tpu.memory_space<hbm>>
        %dma_wait3A_180 = arith.constant 0 : i32
        %dma_wait3A_181 = tpu.memref_slice %arg3[%cond3A_59, %dma_wait3A_180] : memref<2x320000xi32, #tpu.memory_space<hbm>> -> memref<1x320000xi32, #tpu.memory_space<hbm>>
        %dma_wait3A_182 = tpu.memref_squeeze %dma_wait3A_181 : memref<1x320000xi32, #tpu.memory_space<hbm>> -> memref<320000xi32, #tpu.memory_space<hbm>>
        %dma_wait3A_183 = tpu.memref_slice %dma_wait3A_182[%add3A_99] : memref<320000xi32, #tpu.memory_space<hbm>> -> memref<128xi32, #tpu.memory_space<hbm>>
        tpu.wait_dma2 semaphore(%run_scoped3A_167 : memref<!tpu.dma_semaphore, #tpu.memory_space<semaphore_mem>>) src(%dma_wait3A_183 : memref<128xi32, #tpu.memory_space<hbm>>) dst(%arg10 : memref<128xi32, #tpu.memory_space<vmem>>)
        tpu.yield
      }) : () -> ()
      %dma_start3A_100 = arith.constant 0 : i32
      %dma_start3A_101 = arith.constant 0 : i32
      %dma_start3A_102 = tpu.memref_slice %arg2[%dma_start3A_100, %dma_start3A_101] : memref<10000x128xf32, #tpu.memory_space<hbm>> -> memref<10000x128xf32, #tpu.memory_space<hbm>>
      tpu.enqueue_indirect_dma source(%dma_start3A_102 : memref<10000x128xf32, #tpu.memory_space<hbm>>) target(%arg12 : memref<128x128xf32, #tpu.memory_space<vmem>>) offsets(%arg8 : memref<128xi32, #tpu.memory_space<vmem>>) semaphore(%arg14 : memref<!tpu.dma_semaphore, #tpu.memory_space<semaphore_mem>>)
      %get3A = arith.constant 0 : index
      %get3A_103 = tpu.vector_load %arg10[%get3A] {strides = array<i32>} : memref<128xi32, #tpu.memory_space<vmem>>, vector<16xi32>,
      %shift_right_logical3A = arith.constant 4 : i32
      %shift_right_logical3A_104 = vector.broadcast %shift_right_logical3A : i32 to vector<16xi32>
      %shift_right_logical3A_105 = arith.shrui %get3A_103, %shift_right_logical3A_104 : vector<16xi32>
      %and3A = arith.constant 15 : i32
      %and3A_106 = vector.broadcast %and3A : i32 to vector<16xi32>
      %and3A_107 = arith.andi %get3A_103, %and3A_106 : vector<16xi32>
      tpu.vector_store_idx %arg7[%shift_right_logical3A_105, %and3A_107], %broadcast_in_dim3A_49 {add = true} : memref<625x16xf32, #tpu.memory_space<vmem>>[vector<16xi32>, vector<16xi32>], vector<16xf32>,
      %get3A_108 = arith.constant 16 : index
      %get3A_109 = tpu.vector_load %arg10[%get3A_108] {strides = array<i32>} : memref<128xi32, #tpu.memory_space<vmem>>, vector<16xi32>,
      %shift_right_logical3A_110 = arith.constant 4 : i32
      %shift_right_logical3A_111 = vector.broadcast %shift_right_logical3A_110 : i32 to vector<16xi32>
      %shift_right_logical3A_112 = arith.shrui %get3A_109, %shift_right_logical3A_111 : vector<16xi32>
      %and3A_113 = arith.constant 15 : i32
      %and3A_114 = vector.broadcast %and3A_113 : i32 to vector<16xi32>
      %and3A_115 = arith.andi %get3A_109, %and3A_114 : vector<16xi32>
      tpu.vector_store_idx %arg7[%shift_right_logical3A_112, %and3A_115], %broadcast_in_dim3A_49 {add = true} : memref<625x16xf32, #tpu.memory_space<vmem>>[vector<16xi32>, vector<16xi32>], vector<16xf32>,
      %get3A_116 = arith.constant 32 : index
      %get3A_117 = tpu.vector_load %arg10[%get3A_116] {strides = array<i32>} : memref<128xi32, #tpu.memory_space<vmem>>, vector<16xi32>,
      %shift_right_logical3A_118 = arith.constant 4 : i32
      %shift_right_logical3A_119 = vector.broadcast %shift_right_logical3A_118 : i32 to vector<16xi32>
      %shift_right_logical3A_120 = arith.shrui %get3A_117, %shift_right_logical3A_119 : vector<16xi32>
      %and3A_121 = arith.constant 15 : i32
      %and3A_122 = vector.broadcast %and3A_121 : i32 to vector<16xi32>
      %and3A_123 = arith.andi %get3A_117, %and3A_122 : vector<16xi32>
      tpu.vector_store_idx %arg7[%shift_right_logical3A_120, %and3A_123], %broadcast_in_dim3A_49 {add = true} : memref<625x16xf32, #tpu.memory_space<vmem>>[vector<16xi32>, vector<16xi32>], vector<16xf32>,
      %get3A_124 = arith.constant 48 : index
      %get3A_125 = tpu.vector_load %arg10[%get3A_124] {strides = array<i32>} : memref<128xi32, #tpu.memory_space<vmem>>, vector<16xi32>,
      %shift_right_logical3A_126 = arith.constant 4 : i32
      %shift_right_logical3A_127 = vector.broadcast %shift_right_logical3A_126 : i32 to vector<16xi32>
      %shift_right_logical3A_128 = arith.shrui %get3A_125, %shift_right_logical3A_127 : vector<16xi32>
      %and3A_129 = arith.constant 15 : i32
      %and3A_130 = vector.broadcast %and3A_129 : i32 to vector<16xi32>
      %and3A_131 = arith.andi %get3A_125, %and3A_130 : vector<16xi32>
      tpu.vector_store_idx %arg7[%shift_right_logical3A_128, %and3A_131], %broadcast_in_dim3A_49 {add = true} : memref<625x16xf32, #tpu.memory_space<vmem>>[vector<16xi32>, vector<16xi32>], vector<16xf32>,
      %get3A_132 = arith.constant 64 : index
      %get3A_133 = tpu.vector_load %arg10[%get3A_132] {strides = array<i32>} : memref<128xi32, #tpu.memory_space<vmem>>, vector<16xi32>,
      %shift_right_logical3A_134 = arith.constant 4 : i32
      %shift_right_logical3A_135 = vector.broadcast %shift_right_logical3A_134 : i32 to vector<16xi32>
      %shift_right_logical3A_136 = arith.shrui %get3A_133, %shift_right_logical3A_135 : vector<16xi32>
      %and3A_137 = arith.constant 15 : i32
      %and3A_138 = vector.broadcast %and3A_137 : i32 to vector<16xi32>
      %and3A_139 = arith.andi %get3A_133, %and3A_138 : vector<16xi32>
      tpu.vector_store_idx %arg7[%shift_right_logical3A_136, %and3A_139], %broadcast_in_dim3A_49 {add = true} : memref<625x16xf32, #tpu.memory_space<vmem>>[vector<16xi32>, vector<16xi32>], vector<16xf32>,
      %get3A_140 = arith.constant 80 : index
      %get3A_141 = tpu.vector_load %arg10[%get3A_140] {strides = array<i32>} : memref<128xi32, #tpu.memory_space<vmem>>, vector<16xi32>,
      %shift_right_logical3A_142 = arith.constant 4 : i32
      %shift_right_logical3A_143 = vector.broadcast %shift_right_logical3A_142 : i32 to vector<16xi32>
      %shift_right_logical3A_144 = arith.shrui %get3A_141, %shift_right_logical3A_143 : vector<16xi32>
      %and3A_145 = arith.constant 15 : i32
      %and3A_146 = vector.broadcast %and3A_145 : i32 to vector<16xi32>
      %and3A_147 = arith.andi %get3A_141, %and3A_146 : vector<16xi32>
      tpu.vector_store_idx %arg7[%shift_right_logical3A_144, %and3A_147], %broadcast_in_dim3A_49 {add = true} : memref<625x16xf32, #tpu.memory_space<vmem>>[vector<16xi32>, vector<16xi32>], vector<16xf32>,
      %get3A_148 = arith.constant 96 : index
      %get3A_149 = tpu.vector_load %arg10[%get3A_148] {strides = array<i32>} : memref<128xi32, #tpu.memory_space<vmem>>, vector<16xi32>,
      %shift_right_logical3A_150 = arith.constant 4 : i32
      %shift_right_logical3A_151 = vector.broadcast %shift_right_logical3A_150 : i32 to vector<16xi32>
      %shift_right_logical3A_152 = arith.shrui %get3A_149, %shift_right_logical3A_151 : vector<16xi32>
      %and3A_153 = arith.constant 15 : i32
      %and3A_154 = vector.broadcast %and3A_153 : i32 to vector<16xi32>
      %and3A_155 = arith.andi %get3A_149, %and3A_154 : vector<16xi32>
      tpu.vector_store_idx %arg7[%shift_right_logical3A_152, %and3A_155], %broadcast_in_dim3A_49 {add = true} : memref<625x16xf32, #tpu.memory_space<vmem>>[vector<16xi32>, vector<16xi32>], vector<16xf32>,
      %get3A_156 = arith.constant 112 : index
      %get3A_157 = tpu.vector_load %arg10[%get3A_156] {strides = array<i32>} : memref<128xi32, #tpu.memory_space<vmem>>, vector<16xi32>,
      %shift_right_logical3A_158 = arith.constant 4 : i32
      %shift_right_logical3A_159 = vector.broadcast %shift_right_logical3A_158 : i32 to vector<16xi32>
      %shift_right_logical3A_160 = arith.shrui %get3A_157, %shift_right_logical3A_159 : vector<16xi32>
      %and3A_161 = arith.constant 15 : i32
      %and3A_162 = vector.broadcast %and3A_161 : i32 to vector<16xi32>
      %and3A_163 = arith.andi %get3A_157, %and3A_162 : vector<16xi32>
      tpu.vector_store_idx %arg7[%shift_right_logical3A_160, %and3A_163], %broadcast_in_dim3A_49 {add = true} : memref<625x16xf32, #tpu.memory_space<vmem>>[vector<16xi32>, vector<16xi32>], vector<16xf32>,
      %dma_wait3A_164 = arith.constant 0 : i32
      %dma_wait3A_165 = arith.constant 0 : i32
      %dma_wait3A_166 = tpu.memref_slice %arg2[%dma_wait3A_164, %dma_wait3A_165] : memref<10000x128xf32, #tpu.memory_space<hbm>> -> memref<10000x128xf32, #tpu.memory_space<hbm>>
      tpu.wait_indirect_dma semaphore(%arg14 : memref<!tpu.dma_semaphore, #tpu.memory_space<semaphore_mem>>) src(%dma_wait3A_166 : memref<10000x128xf32, #tpu.memory_space<hbm>>) dst(%arg12 : memref<128x128xf32, #tpu.memory_space<vmem>>)
      "tpu.region"() ({
        %run_scoped3A_167 = tpu.sem_alloc : memref<!tpu.dma_semaphore, #tpu.memory_space<semaphore_mem>>
        %dma_start3A_168 = arith.constant 0 : i32
        %dma_start3A_169 = arith.constant 0 : i32
        %dma_start3A_170 = tpu.memref_slice %arg6[%dma_start3A_168, %dma_start3A_169] : memref<10000x128xf32, #tpu.memory_space<vmem_shared>> -> memref<10000x128xf32, #tpu.memory_space<vmem_shared>>
        tpu.enqueue_indirect_dma source(%arg12 : memref<128x128xf32, #tpu.memory_space<vmem>>) target(%dma_start3A_170 : memref<10000x128xf32, #tpu.memory_space<vmem_shared>>) offsets(%arg10 : memref<128xi32, #tpu.memory_space<vmem>>) semaphore(%run_scoped3A_167 : memref<!tpu.dma_semaphore, #tpu.memory_space<semaphore_mem>>) {add = true}
        %dma_wait3A_171 = arith.constant 0 : i32
        %dma_wait3A_172 = arith.constant 0 : i32
        %dma_wait3A_173 = tpu.memref_slice %arg6[%dma_wait3A_171, %dma_wait3A_172] : memref<10000x128xf32, #tpu.memory_space<vmem_shared>> -> memref<10000x128xf32, #tpu.memory_space<vmem_shared>>
        tpu.wait_indirect_dma semaphore(%run_scoped3A_167 : memref<!tpu.dma_semaphore, #tpu.memory_space<semaphore_mem>>) src(%arg12 : memref<128x128xf32, #tpu.memory_space<vmem>>) dst(%dma_wait3A_173 : memref<10000x128xf32, #tpu.memory_space<vmem_shared>>)
        tpu.yield
      }) : () -> ()
    } else {
    }
    %barrier3A_62 = arith.constant 0 : index
    tpu.barrier barrier_id(%barrier3A_62)
    %mul3A_63 = arith.constant 625 : i32
    %mul3A_64 = arith.muli %arg1, %mul3A_63 : i32
    %mul3A_65 = arith.constant 625 : i32
    %mul3A_66 = arith.muli %arg1, %mul3A_65 : i32
    %dma_start3A_67 = arith.constant 0 : i32
    %dma_start3A_68 = tpu.memref_slice %arg4[%arg0, %mul3A_66, %dma_start3A_67] : memref<2x10000x128xf32, #tpu.memory_space<hbm>> -> memref<1x625x128xf32, #tpu.memory_space<hbm>>
    %dma_start3A_69 = tpu.memref_squeeze %dma_start3A_68 : memref<1x625x128xf32, #tpu.memory_space<hbm>> -> memref<625x128xf32, #tpu.memory_space<hbm>>
    %dma_start3A_70 = arith.constant 0 : i32
    %dma_start3A_71 = tpu.memref_slice %arg6[%mul3A_64, %dma_start3A_70] : memref<10000x128xf32, #tpu.memory_space<vmem_shared>> -> memref<625x128xf32, #tpu.memory_space<vmem_shared>>
    tpu.enqueue_dma source(%dma_start3A_71 : memref<625x128xf32, #tpu.memory_space<vmem_shared>>) target(%dma_start3A_69 : memref<625x128xf32, #tpu.memory_space<hbm>>) target_semaphore(%arg14 : memref<!tpu.dma_semaphore, #tpu.memory_space<semaphore_mem>>)
    %dma_start3A_72 = arith.constant 0 : i32
    %dma_start3A_73 = arith.constant 0 : i32
    %dma_start3A_74 = tpu.memref_slice %arg5[%arg0, %arg1, %dma_start3A_72, %dma_start3A_73] : memref<2x16x625x16xf32, #tpu.memory_space<hbm>> -> memref<1x1x625x16xf32, #tpu.memory_space<hbm>>
    %dma_start3A_75 = tpu.memref_squeeze %dma_start3A_74 : memref<1x1x625x16xf32, #tpu.memory_space<hbm>> -> memref<625x16xf32, #tpu.memory_space<hbm>>
    %dma_start3A_76 = arith.constant 0 : i32
    %dma_start3A_77 = arith.constant 0 : i32
    %dma_start3A_78 = tpu.memref_slice %arg5[%arg0, %arg1, %dma_start3A_76, %dma_start3A_77] : memref<2x16x625x16xf32, #tpu.memory_space<hbm>> -> memref<1x1x625x16xf32, #tpu.memory_space<hbm>>
    %dma_start3A_79 = tpu.memref_squeeze %dma_start3A_78 : memref<1x1x625x16xf32, #tpu.memory_space<hbm>> -> memref<625x16xf32, #tpu.memory_space<hbm>>
    tpu.enqueue_dma source(%arg7 : memref<625x16xf32, #tpu.memory_space<vmem>>) target(%dma_start3A_79 : memref<625x16xf32, #tpu.memory_space<hbm>>) target_semaphore(%arg16 : memref<!tpu.dma_semaphore, #tpu.memory_space<semaphore_mem>>)
    %mul3A_80 = arith.constant 625 : i32
    %mul3A_81 = arith.muli %arg1, %mul3A_80 : i32
    %mul3A_82 = arith.constant 625 : i32
    %mul3A_83 = arith.muli %arg1, %mul3A_82 : i32
    %dma_wait3A = arith.constant 0 : i32
    %dma_wait3A_84 = tpu.memref_slice %arg4[%arg0, %mul3A_83, %dma_wait3A] : memref<2x10000x128xf32, #tpu.memory_space<hbm>> -> memref<1x625x128xf32, #tpu.memory_space<hbm>>
    %dma_wait3A_85 = tpu.memref_squeeze %dma_wait3A_84 : memref<1x625x128xf32, #tpu.memory_space<hbm>> -> memref<625x128xf32, #tpu.memory_space<hbm>>
    %dma_wait3A_86 = arith.constant 0 : i32
    %dma_wait3A_87 = tpu.memref_slice %arg6[%mul3A_81, %dma_wait3A_86] : memref<10000x128xf32, #tpu.memory_space<vmem_shared>> -> memref<625x128xf32, #tpu.memory_space<vmem_shared>>
    tpu.wait_dma2 semaphore(%arg14 : memref<!tpu.dma_semaphore, #tpu.memory_space<semaphore_mem>>) src(%dma_wait3A_87 : memref<625x128xf32, #tpu.memory_space<vmem_shared>>) dst(%dma_wait3A_85 : memref<625x128xf32, #tpu.memory_space<hbm>>)
    %dma_wait3A_88 = arith.constant 0 : i32
    %dma_wait3A_89 = arith.constant 0 : i32
    %dma_wait3A_90 = tpu.memref_slice %arg5[%arg0, %arg1, %dma_wait3A_88, %dma_wait3A_89] : memref<2x16x625x16xf32, #tpu.memory_space<hbm>> -> memref<1x1x625x16xf32, #tpu.memory_space<hbm>>
    %dma_wait3A_91 = tpu.memref_squeeze %dma_wait3A_90 : memref<1x1x625x16xf32, #tpu.memory_space<hbm>> -> memref<625x16xf32, #tpu.memory_space<hbm>>
    %dma_wait3A_92 = arith.constant 0 : i32
    %dma_wait3A_93 = arith.constant 0 : i32
    %dma_wait3A_94 = tpu.memref_slice %arg5[%arg0, %arg1, %dma_wait3A_92, %dma_wait3A_93] : memref<2x16x625x16xf32, #tpu.memory_space<hbm>> -> memref<1x1x625x16xf32, #tpu.memory_space<hbm>>
    %dma_wait3A_95 = tpu.memref_squeeze %dma_wait3A_94 : memref<1x1x625x16xf32, #tpu.memory_space<hbm>> -> memref<625x16xf32, #tpu.memory_space<hbm>>
    tpu.wait_dma2 semaphore(%arg16 : memref<!tpu.dma_semaphore, #tpu.memory_space<semaphore_mem>>) src(%arg7 : memref<625x16xf32, #tpu.memory_space<vmem>>) dst(%dma_wait3A_95 : memref<625x16xf32, #tpu.memory_space<hbm>>)
    return
  }
}

module attributes {stable_mosaic.version = 14 : i64} {
  func.func @body(%arg0: i32, %arg1: memref<2x1000x128xf32, #tpu.memory_space<vmem>>, %arg2: memref<1000x32xf32, #tpu.memory_space<vmem>>, %arg3: memref<128x128xf32, #tpu.memory_space<vmem>>, %arg4: memref<1x128xf32, #tpu.memory_space<vmem>>, %arg5: memref<128x128xf32, #tpu.memory_space<vmem>>, %arg6: memref<1x128xf32, #tpu.memory_space<vmem>>, %arg7: memref<1000x128xf32, #tpu.memory_space<vmem>>) attributes {dimension_semantics = [#tpu.dimension_semantics<arbitrary>], iteration_bounds = array<i64: 10>, scalar_prefetch = 0 : i64, scratch_operands = 0 : i64, tpu.core_type = #tpu.core_type<tc>, window_params = [{transform_indices = @transform_0, window_bounds = array<i64: 2, 1000, 128>}, {transform_indices = @transform_1, window_bounds = array<i64: 1000, 32>}, {pipeline_mode = #tpu.pipeline_mode<synchronous>, transform_indices = @transform_2, window_bounds = array<i64: 128, 128>}, {pipeline_mode = #tpu.pipeline_mode<synchronous>, transform_indices = @transform_3, window_bounds = array<i64: 1, 128>}, {pipeline_mode = #tpu.pipeline_mode<synchronous>, transform_indices = @transform_4, window_bounds = array<i64: 128, 128>}, {pipeline_mode = #tpu.pipeline_mode<synchronous>, transform_indices = @transform_5, window_bounds = array<i64: 1, 128>}, {transform_indices = @transform_6, window_bounds = array<i64: 1000, 128>}]} {
    %get3A = arith.constant 0 : index
    %get3A_0 = arith.constant 0 : index
    %get3A_1 = arith.constant 0 : index
    %get3A_2 = vector.load %arg1[%get3A, %get3A_0, %get3A_1] : memref<2x1000x128xf32, #tpu.memory_space<vmem>>, vector<1x1000x128xf32>
    %get3A_3 = vector.shape_cast %get3A_2 : vector<1x1000x128xf32> to vector<1000x128xf32>
    %get3A_4 = arith.constant 1 : index
    %get3A_5 = arith.constant 0 : index
    %get3A_6 = arith.constant 0 : index
    %get3A_7 = vector.load %arg1[%get3A_4, %get3A_5, %get3A_6] : memref<2x1000x128xf32, #tpu.memory_space<vmem>>, vector<1x1000x128xf32>
    %get3A_8 = vector.shape_cast %get3A_7 : vector<1x1000x128xf32> to vector<1000x128xf32>
    %add3A = arith.addf %get3A_3, %get3A_8 : vector<1000x128xf32>
    %get3A_9 = arith.constant 0 : index
    %get3A_10 = arith.constant 0 : index
    %get3A_11 = vector.load %arg2[%get3A_9, %get3A_10] : memref<1000x32xf32, #tpu.memory_space<vmem>>, vector<1000x32xf32>
    %reduce_sum3A = arith.constant dense<0.000000e+00> : vector<1000xf32>
    %reduce_sum3A_12 = vector.multi_reduction <add>, %get3A_11, %reduce_sum3A [1] : vector<1000x32xf32> to vector<1000xf32>
    %broadcast_in_dim3A = vector.shape_cast %reduce_sum3A_12 : vector<1000xf32> to vector<1000x1xf32>
    %max3A = arith.constant 1.000000e+00 : f32
    %max3A_13 = vector.broadcast %max3A : f32 to vector<1000x1xf32>
    %max3A_14 = arith.maximumf %broadcast_in_dim3A, %max3A_13 : vector<1000x1xf32>
    %div3A = arith.constant 1.000000e+00 : f32
    %div3A_15 = vector.broadcast %div3A : f32 to vector<1000x1xf32>
    %div3A_16 = arith.divf %div3A_15, %max3A_14 : vector<1000x1xf32>
    %mul3A = vector.broadcast %div3A_16 : vector<1000x1xf32> to vector<1000x128xf32>
    %mul3A_17 = arith.mulf %add3A, %mul3A : vector<1000x128xf32>
    %get3A_18 = arith.constant 0 : index
    %get3A_19 = arith.constant 0 : index
    %get3A_20 = vector.load %arg3[%get3A_18, %get3A_19] : memref<128x128xf32, #tpu.memory_space<vmem>>, vector<128x128xf32>
    %dot_general3A = arith.constant dense<0.000000e+00> : vector<1000x128xf32>
    %dot_general3A_21 = tpu.matmul %mul3A_17, %get3A_20, %dot_general3A {dimension_numbers = #tpu.dot_dimension_numbers<[1], [0], [0], [1], [0, 0, 1, 1], [], []>, transpose_lhs_hint = false} : vector<1000x128xf32>, vector<128x128xf32>, vector<1000x128xf32> -> vector<1000x128xf32>
    %get3A_22 = arith.constant 0 : index
    %get3A_23 = arith.constant 0 : index
    %get3A_24 = vector.load %arg4[%get3A_22, %get3A_23] : memref<1x128xf32, #tpu.memory_space<vmem>>, vector<1x128xf32>
    %add3A_25 = vector.broadcast %get3A_24 : vector<1x128xf32> to vector<1000x128xf32>
    %add3A_26 = arith.addf %dot_general3A_21, %add3A_25 : vector<1000x128xf32>
    %max3A_27 = arith.constant 0.000000e+00 : f32
    %max3A_28 = vector.broadcast %max3A_27 : f32 to vector<1000x128xf32>
    %max3A_29 = arith.maximumf %add3A_26, %max3A_28 : vector<1000x128xf32>
    %get3A_30 = arith.constant 0 : index
    %get3A_31 = arith.constant 0 : index
    %get3A_32 = vector.load %arg5[%get3A_30, %get3A_31] : memref<128x128xf32, #tpu.memory_space<vmem>>, vector<128x128xf32>
    %dot_general3A_33 = arith.constant dense<0.000000e+00> : vector<1000x128xf32>
    %dot_general3A_34 = tpu.matmul %max3A_29, %get3A_32, %dot_general3A_33 {dimension_numbers = #tpu.dot_dimension_numbers<[1], [0], [0], [1], [0, 0, 1, 1], [], []>, transpose_lhs_hint = false} : vector<1000x128xf32>, vector<128x128xf32>, vector<1000x128xf32> -> vector<1000x128xf32>
    %get3A_35 = arith.constant 0 : index
    %get3A_36 = arith.constant 0 : index
    %get3A_37 = vector.load %arg6[%get3A_35, %get3A_36] : memref<1x128xf32, #tpu.memory_space<vmem>>, vector<1x128xf32>
    %add3A_38 = vector.broadcast %get3A_37 : vector<1x128xf32> to vector<1000x128xf32>
    %add3A_39 = arith.addf %dot_general3A_34, %add3A_38 : vector<1000x128xf32>
    %swap3A = arith.constant 0 : index
    %swap3A_40 = arith.constant 0 : index
    %swap3A_41 = vector.load %arg7[%swap3A, %swap3A_40] : memref<1000x128xf32, #tpu.memory_space<vmem>>, vector<1000x128xf32>
    tpu.vector_store %arg7[%swap3A, %swap3A_40], %add3A_39 {strides = array<i32>} : memref<1000x128xf32, #tpu.memory_space<vmem>>, vector<1000x128xf32>,
    return
  }
  func.func @transform_0(%arg0: i32) -> (i32, i32, i32) {
    %c0_i32 = arith.constant 0 : i32
    %c0_i32_0 = arith.constant 0 : i32
    %c0_i32_1 = arith.constant 0 : i32
    return %c0_i32, %arg0, %c0_i32_0 : i32, i32, i32
  }
  func.func @transform_1(%arg0: i32) -> (i32, i32) {
    %c0_i32 = arith.constant 0 : i32
    %c0_i32_0 = arith.constant 0 : i32
    return %arg0, %c0_i32 : i32, i32
  }
  func.func @transform_2(%arg0: i32) -> (i32, i32) {
    %c0_i32 = arith.constant 0 : i32
    %c0_i32_0 = arith.constant 0 : i32
    %c0_i32_1 = arith.constant 0 : i32
    return %c0_i32, %c0_i32_0 : i32, i32
  }
  func.func @transform_3(%arg0: i32) -> (i32, i32) {
    %c0_i32 = arith.constant 0 : i32
    %c0_i32_0 = arith.constant 0 : i32
    %c0_i32_1 = arith.constant 0 : i32
    return %c0_i32, %c0_i32_0 : i32, i32
  }
  func.func @transform_4(%arg0: i32) -> (i32, i32) {
    %c0_i32 = arith.constant 0 : i32
    %c0_i32_0 = arith.constant 0 : i32
    %c0_i32_1 = arith.constant 0 : i32
    return %c0_i32, %c0_i32_0 : i32, i32
  }
  func.func @transform_5(%arg0: i32) -> (i32, i32) {
    %c0_i32 = arith.constant 0 : i32
    %c0_i32_0 = arith.constant 0 : i32
    %c0_i32_1 = arith.constant 0 : i32
    return %c0_i32, %c0_i32_0 : i32, i32
  }
  func.func @transform_6(%arg0: i32) -> (i32, i32) {
    %c0_i32 = arith.constant 0 : i32
    %c0_i32_0 = arith.constant 0 : i32
    return %arg0, %c0_i32 : i32, i32
  }
}

</mosaic_0001>

<sc_bundles>
// kernel: kernel.4.cloned.1.call-start
scs
__scs_entry_jumppad:
0x0: {  	(pc) =	sbr.rel $0x88, $3  }
0x1: {  	(tag) =	ssettag $0x0;
	lr =	simm.s32 $0x1  }
0x2: {  	[smem:$0x3F9B] =	sst lr;
	_ =	strace $0xD0000000  }
0x3: {  	_ = 	snop  }
0x4: {  	_ = 	snop  }
0x5: {  	_ = 	snop  }
0x6: {  	_ = 	snop  }
0x7: {  	_ = 	snop  }
__scs_overlays_trampoline_lowered:
0x8: {  	[smem:$0x3FAA] =	sst s0  }
0x9: {  	[smem:$0x3FAB] =	sst s1  }
0xa: {  	[smem:$0x3FAC] =	sst s2  }
0xb: {  	[smem:$0x3FAD] =	sst s3  }
0xc: {  	[smem:$0x3FAE] =	sst s4  }
0xd: {  	[smem:$0x3FAF] =	sst s5  }
0xe: {  	[smem:$0x3FB0] =	sst s6  }
0xf: {  	[smem:$0x3FB1] =	sst s7  }
0x10: {  	[smem:$0x3FB2] =	sst s8  }
0x11: {  	[smem:$0x3FB3] =	sst s9;
	s0 =	simm.s32 @!p0 $0x0  }
0x12: {  	s1 =	sld [smem:$0x3F99];
	s0 =	simm.s32 @p0 $0x1  }
0x13: {  	[smem:$0x3FB4] =	sst s0;
	s0 =	simm.s32 @!p1 $0x0  }
0x14: {  	s2 =	sld [smem:$0x3F98];
	s0 =	simm.s32 @p1 $0x1  }
0x15: {  	[smem:$0x3FB5] =	sst s0;
	s0 =	simm.s32 @!p2 $0x0  }
0x16: {  	s3 =	sld [smem:$0x3FDB];
	s0 =	simm.s32 @p2 $0x1  }
0x17: {  	s4 =	simm.s32 $0x1BF5;
	[smem:$0x3FB7] =	sst s0  }
0x18: {  	s0 =	sld [smem:$0x3F9A];
	_ =	swait.ge [sflag:s4], $0x0  }
0x19: {  	s7 =	sld [smem:$0x3F9B]  }
0x1a: {  	s8 =	sadd.s32 $0xFFFFE003, lr  }
0x1b: {  	s9 =	sadd.s32 $0xFFFFFEF7, lr;
	s5 =	simm.s32 $0xFFFFFFFF;
	p2 =	slt.u32 s8, $0xFFFFF086  }
0x1c: {  	p1 =	slt.u32 s9, $0xF7A;
	s5 =	simm.s32 @!p2 $0x0  }
0x1d: {  	s5 =	simm.s32 @p1 $0x1;
	p0 =	seq.s32 s7, s2  }
0x1e: {  	s7 =	smul.u32 @!p0 $0xF7A, s2;
	p2 =	seq.s32 @!p0 s5, $0x0  }
0x1f: {  	s9 =	smul.u32 $0xF7A, s1;
	s8 =	simm.s32 @!p0 $0x1BF5;
	p2 =	por !p2, p0  }
0x20: {  	[sflag:s8] =	ssyncset.s32 @!p0 $0xFFFFF086;
	s6 =	sadd.s32 @!p0 s3, s7;
	s7 =	simm.s32 @!p0 $0x108  }
0x21: {  	s3 =	sadd.s32 s3, s9;
	s6 =	sadd.s32 @!p0 $0x88, s6;
	s7 =	simm.s32 @p2 $0x1082  }
0x22: {  	[simem:s7], [sflag:s8] =	dma.local @!p0 [hbm:s6], $0xF7A  }
0x23: {  	s9 =	sor.u32 $0xD0000000, s2;
	s6 =	simm.s32 $0x108;
	_ =	swait.ge @!p0 [sflag:s8], $0x0  }
0x24: {  	s3 =	sadd.s32 $0x88, s3;
	s6 =	simm.s32 @!p1 $0x1082;
	[sflag:s4] =	ssyncset.s32 $0xFFFFF086  }
0x25: {  	[simem:s6], [sflag:s4] =	dma.local [hbm:s3], $0xF7A  }
0x26: {  	[smem:$0x3F9B] =	sst s1;
	(tag) =	ssettag s2;
	_ =	strace s9  }
0x27: {  	s1 =	sld [smem:$0x3FAB]  }
0x28: {  	s2 =	sld [smem:$0x3FAC]  }
0x29: {  	s4 =	sld [smem:$0x3FAE]  }
0x2a: {  	p0 =	seq.s32 s5, $0x0;
	s5 =	sld [smem:$0x3FAF]  }
0x2b: {  	s6 =	sld [smem:$0x3FB0]  }
0x2c: {  	s7 =	sld [smem:$0x3FB1]  }
0x2d: {  	s3 =	simm.s32 $0x108;
	s8 =	sld [smem:$0x3FB2]  }
0x2e: {  	s3 =	simm.s32 @!p0 $0x1082;
	s9 =	sld [smem:$0x3FB3]  }
0x2f: {  	lr =	sadd.s32 s0, s3;
	s0 =	sld [smem:$0x3FAA]  }
0x30: {  	s3 =	sld [smem:$0x3FAD]  }
0x31: {  	[smem:$0x3FB6] =	sst s10  }
0x32: {  	s10 =	sld [smem:$0x3FB4];
	_ =	sdelay $0x3  }
0x33: {  	p0 =	seq.s32 s10, $0x1;
	s10 =	sld [smem:$0x3FB6];
	_ =	sdelay $0x3  }
0x34: {  	[smem:$0x3FB6] =	sst s10  }
0x35: {  	s10 =	sld [smem:$0x3FB5];
	_ =	sdelay $0x3  }
0x36: {  	p1 =	seq.s32 s10, $0x1;
	s10 =	sld [smem:$0x3FB6];
	_ =	sdelay $0x3  }
0x37: {  	[smem:$0x3FB6] =	sst s10  }
0x38: {  	s10 =	sld [smem:$0x3FB7]  }
0x39: {  	_ = 	snop;
	(pc) =	sbr.ind lr, $3  }
0x3a: {  	_ = 	snop  }
0x3b: {  	_ = 	snop  }
0x3c: {  	p2 =	seq.s32 s10, $0x1;
	s10 =	sld [smem:$0x3FB6]  }
0x3d: {  	_ =	shalt  }
0x3e: {  	_ =	shalt  }
0x3f: {  	_ =	shalt  }
0x40: {  	_ =	shalt  }
0x41: {  	_ =	shalt  }
0x42: {  	_ =	shalt  }
0x43: {  	_ =	shalt  }
0x44: {  	_ =	shalt  }
0x45: {  	_ =	shalt  }
0x46: {  	_ =	shalt  }
0x47: {  	_ =	shalt  }
0x48: {  	_ =	shalt  }
0x49: {  	_ =	shalt  }
0x4a: {  	_ =	shalt  }
0x4b: {  	_ =	shalt  }
0x4c: {  	_ =	shalt  }
0x4d: {  	_ =	shalt  }
0x4e: {  	_ =	shalt  }
0x4f: {  	_ =	shalt  }
0x50: {  	_ =	shalt  }
0x51: {  	_ =	shalt  }
0x52: {  	_ =	shalt  }
0x53: {  	_ =	shalt  }
0x54: {  	_ =	shalt  }
0x55: {  	_ =	shalt  }
0x56: {  	_ =	shalt  }
0x57: {  	_ =	shalt  }
0x58: {  	_ =	shalt  }
0x59: {  	_ =	shalt  }
0x5a: {  	_ =	shalt  }
0x5b: {  	_ =	shalt  }
0x5c: {  	_ =	shalt  }
0x5d: {  	_ =	shalt  }
0x5e: {  	_ =	shalt  }
0x5f: {  	_ =	shalt  }
0x60: {  	_ =	shalt  }
0x61: {  	_ =	shalt  }
0x62: {  	_ =	shalt  }
0x63: {  	_ =	shalt  }
0x64: {  	_ =	shalt  }
0x65: {  	_ =	shalt  }
0x66: {  	_ =	shalt  }
0x67: {  	_ =	shalt  }
0x68: {  	_ =	shalt  }
0x69: {  	_ =	shalt  }
0x6a: {  	_ =	shalt  }
0x6b: {  	_ =	shalt  }
0x6c: {  	_ =	shalt  }
0x6d: {  	_ =	shalt  }
0x6e: {  	_ =	shalt  }
0x6f: {  	_ =	shalt  }
0x70: {  	_ =	shalt  }
0x71: {  	_ =	shalt  }
0x72: {  	_ =	shalt  }
0x73: {  	_ =	shalt  }
0x74: {  	_ =	shalt  }
0x75: {  	_ =	shalt  }
0x76: {  	_ =	shalt  }
0x77: {  	_ =	shalt  }
0x78: {  	_ =	shalt  }
0x79: {  	_ =	shalt  }
0x7a: {  	_ =	shalt  }
0x7b: {  	_ =	shalt  }
0x7c: {  	_ =	shalt  }
0x7d: {  	_ =	shalt  }
0x7e: {  	_ =	shalt  }
0x7f: {  	_ =	shalt  }
0x80: {  	_ =	shalt  }
0x81: {  	_ =	shalt  }
0x82: {  	_ =	shalt  }
0x83: {  	_ =	shalt  }
0x84: {  	_ =	shalt  }
0x85: {  	_ =	shalt  }
0x86: {  	_ =	shalt  }
0x87: {  	_ =	shalt  }
.Lfunc_end0:
.L_simem_size_0:
called_computation_lowered:
.L_overlay_start_0:
0x88: {  	s2 =	sld [smem:$0x3FD9]  }
0x89: {  	s3 =	sld [smem:$0x3FFE];
	_ =	sdelay $0x1  }
0x8a: {  	s1 =	srdreg.scid  }
0x8b: {  	s0 =	sand.u32 $0x1, s1  }
0x8c: {  	s17 =	sshll.u32 s0, $0xA;
	s2 =	sadd.s32 s3, s2  }
0x8d: {  	s2 =	sadd.s32 s2, s17  }
0x8e: {  	[smem:$0x3FC2] =	sst s2  }
0x8f: {  	_ = 	snop  }
0x90: {  	s2 =	sld [smem:$0x3FC9]  }
0x91: {  	s18 =	sld [smem:$0x3FD0];
	(tm) =	ssettm $0x1  }
0x92: {  	s4 =	sld [smem:$0x3FFB];
	_ =	sdelay $0x3  }
0x93: {  	_ =	strace s4  }
0x94: {  	s4 =	sld [smem:$0x3FFC];
	_ =	sdelay $0x3  }
0x95: {  	_ =	strace s4  }
0x96: {  	s4 =	sld [smem:$0x3FFD];
	_ =	sdelay $0x3  }
0x97: {  	_ =	strace s4  }
0x98: {  	_ =	strace $0x8FFFFFFF  }
0x99: {  	s19 =	sld [smem:$0x3FDB];
	_ =	sdelay $0x1  }
0x9a: {  	s5 =	simm.s32 $_scs_section_size  }
0x9b: {  	s6 =	simm.s32 $_size__tile_overlayer_lowered;
	s7 =	simm.s32 $_tile_overlayer_lowered  }
0x9c: {  	s22 =	simm.s32 $0x1BFF;
	s21 =	sshll.u32 s7, $0x1;
	s4 =	sadd.s32 s5, s19  }
0x9d: {  	s8 =	simm.s32 $0x0;
	s20 =	sshll.u32 s6, $0x1;
	s6 =	sadd.s32 s21, s4  }
0x9e: {  	[timem:s8], [sflag:s22] =	dma.local [hbm:s6], s20  }
0x9f: {  	_ =	swait.ge [sflag:s22], s20  }
0xa0: {  	s5 =	ssub.s32 $0x0, s20;
	[sflag:s22] =	ssyncset.done $0x0  }
0xa1: {  	[sflag:s22] =	ssyncadd.s32 s5;
	_ =	sdelay $0x1  }
0xa2: {  	s23 =	simm.s32 $0x1B8B  }
0xa3: {  	_ =	swait.ge [sflag:s23], $0x1  }
0xa4: {  	[sflag:s23] =	ssyncset.done $0x0  }
0xa5: {  	s25 =	simm.s32 $0x1B8E;
	s24 =	sld [smem:$0x3FFE];
	[sflag:s23] =	ssyncadd.s32 $0xFFFFFFFF  }
0xa6: {  	s26 =	simm.s32 $execute0_lowered;
	[smem:$0x3FD2] =	sst s25  }
0xa7: {  	s6 =	sshll.u32 s26, $0x1;
	_ =	strace $0x80000046;
	[dreg:$0x1] =	wrdreg $0xFFFFFFFF  }
0xa8: {  	s28 =	simm.s32 $_size_execute0_lowered;
	s4 =	sadd.s32 s4, s6;
	[dreg:$0x0] =	wrdreg $0x0  }
0xa9: {  	s6 =	sshll.u32 s28, $0x1;
	[dreg:$0x2] =	wrdreg s4  }
0xaa: {  	[dreg:$0x3] =	wrdreg s6  }
0xab: {  	[dreg:$0x4] =	wrdreg $0xC0  }
0xac: {  	_ =	task [dreg:s8], $0x5FFFF  }
0xad: {  	[dreg:$0x1] =	wrdreg $0xFFFFFFFF  }
0xae: {  	[dreg:$0x0] =	wrdreg $0x60  }
0xaf: {  	[dreg:$0x2] =	wrdreg s2  }
0xb0: {  	[dreg:$0x3] =	wrdreg s18  }
0xb1: {  	[dreg:$0x4] =	wrdreg s24  }
0xb2: {  	[dreg:$0x5] =	wrdreg $0x0  }
0xb3: {  	[dreg:$0x6] =	wrdreg $0x9  }
0xb4: {  	_ =	task.clear_ibuf [dreg:s8], $0x7FFFF;
	_ =	strace $0x90000046  }
0xb5: {  	s29 =	simm.s32 $0x9;
	_ =	strace $0x80000048  }
0xb6: {  	_ =	swait.ge [sflag:s29], $0x1  }
0xb7: {  	[sflag:s29] =	ssyncadd.s32 $0xFFFFFFFF  }
0xb8: {  	_ =	strace $0x90000048  }
0xb9: {  	_ =	sfence  }
0xba: {  	s30 =	sld [smem:$0x0];
	_ =	sdelay $0x2  }
0xbb: {  	s31 =	sshll.u32 s1, $0xD;
	s1 =	sshrl.u32 s1, $0x2  }
0xbc: {  	s3 =	sand.u32 $0x4000, s31;
	s1 =	sadd.s32 s1, s30  }
0xbd: {  	s0 =	sor.u32 s3, s0;
	s1 =	sshll.u32 s1, $0x11  }
0xbe: {  	s0 =	sor.u32 s1, s0  }
0xbf: {  	s0 =	sadd.s32 $0x8F2B, s0  }
0xc0: {  	[sflag:s0] =	ssyncadd.remote.s32 $0x1  }
0xc1: {  	_ =	sfence.sel $0xFFFF  }
0xc2: {  	[dreg:$0x0] =	wrdreg $0xFFFFFFFF;
	(pc) =	sbr.abs _section_cstart, $3  }
0xc3: {  	[dreg:$0x1] =	wrdreg $0xFFFFFFFF  }
0xc4: {  	_ =	task.clear_ibuf [dreg:s8], $0x2FFFF;
	_ =	strace $0x9FFFFFFF  }
0xc5: {  	(tm) =	ssettm $0x7FFFFFFF  }
tec
execute0_lowered:
.L_overlay_start_1:
0x0: {  	(tag) =	ssettag $0x1  }
0x1: {  	s0 =	rddreg [dreg:$0x0]  }
0x2: {  	s2 =	rddreg [dreg:$0x1];
	s14 =	stileid.u32  }
0x3: {  	s1 =	srdreg.scid;
	s8 =	smul.u32 $0x13880, s14  }
0x4: {  	s3 =	rddreg [dreg:$0x2];
	s9 =	smul.u32 $0x2710, s14  }
0x5: {  	s4 =	rddreg [dreg:$0x3];
	s28 =	smul.u32 $0x4E200, s14  }
0x6: {  	s5 =	simm.s32 $0x0;
	s1 =	sand.u32 $0x1, s1;
	s20 =	smul.u32 $0x2700, s14  }
0x7: {  	s29 =	simm.s32 $0x16090;
	s30 =	simm.s32 $0x80;
	s6 =	smul.u32 $0x138800, s1  }
0x8: {  	s31 =	simm.s32 $0x16010;
	[smem:$0x7FF] =	sst s5;
	s7 =	smul.u32 $0x27100, s1  }
0x9: {  	_ =	strace $0x80000047;
	s10 =	sshll.u32 s1, $0x4;
	s12 =	ssub.s32 $0x2, s1  }
0xa: {  	s1 =	smul.u32 $0x27000, s1;
	s16 =	sshrl.u32 s28, $0x2;
	s17 =	sshrl.u32 s12, $0x1  }
0xb: {  	s6 =	sadd.s32 s8, s6;
	s7 =	sadd.s32 s9, s7;
	s9 =	sor.u32 s14, s10  }
0xc: {  	s12 =	ssub.s32 s12, s17;
	s10 =	sadd.s32 $0x9C40, s2;
	s8 =	sadd.s32 s8, s4  }
0xd: {  	s1 =	sadd.s32 s20, s1;
	s6 =	sshrl.u32 s6, $0x3;
	s13 =	sshrl.u32 s7, $0x3  }
0xe: {  	s15 =	smul.u32 $0x2700, s9;
	s23 =	smax.u32 s12, $0x1;
	s25 =	sadd.s32 $0x180, s1  }
0xf: {  	s12 =	sadd.s32 $0x100, s1;
	p0 =	sgt.u32 s9, $0x3;
	s1 =	simm.s32 $0x13880  }
0x10: {  	s9 =	simm.s32 $0x1A190;
	s11 =	sadd.s32 s6, s3;
	s6 =	sadd.s32 s16, s4  }
0x11: {  	s3 =	sadd.s32 s13, s3;
	[dreg:$0xe] =	wrdreg s23;
	s18 =	sadd.s32 $0x10000, s6  }
0x12: {  	s13 =	sshll.u32 s14, $0x4;
	s7 =	sshrl.u32 s15, $0x3;
	[dreg:$0x6] =	wrdreg s18  }
0x13: {  	s14 =	simm.s32 $0x2;
	s15 =	sor.u32 $0x9C00, s13;
	[dreg:$0x5] =	wrdreg s7  }
0x14: {  	s16 =	simm.s32 $0x0;
	s22 =	sadd.s32 $0xB000, s11;
	[dreg:$0x9] =	wrdreg s15  }
0x15: {  	s3 =	sadd.s32 $0x1200, s3;
	s24 =	sadd.s32 $0x4000, s6;
	[dreg:$0xc] =	wrdreg s22  }
0x16: {  	s26 =	sadd.s32 $0x8000, s6;
	s28 =	sadd.s32 $0xC000, s6;
	[dreg:$0xd] =	wrdreg s3  }
0x17: {  	s13 =	simm.s32 $0x1;
	s19 =	sadd.s32 s2, s7;
	[dreg:$0xf] =	wrdreg s24  }
0x18: {  	s7 =	sor.u32 $0x10, s7;
	s21 =	sadd.s32 s2, s15;
	[dreg:$0x10] =	wrdreg s26  }
.Ltmp0:
0x19: {  	[dreg:$0x11] =	wrdreg s28;
	s24 =	simm.s32 $0x16190;
	(pc) =	sbr.rel .LBB2_1-.Ltmp0, $4  }
0x1a: {  	s26 =	simm.s32 $0x5;
	s3 =	simm.s32 $0x16110;
	[dreg:$0x7] =	wrdreg s19  }
0x1b: {  	s15 =	simm.s32 $0x3;
	[dreg:$0x8] =	wrdreg s7;
	s7 =	sadd.s32 s2, s7  }
0x1c: {  	[dreg:$0xb] =	wrdreg s21;
	s21 =	sshrl.u32 s25, $0x3;
	s25 =	sshrl.u32 s8, $0x3  }
0x1d: {  	v0 =	vimm.f32 $0.0e+00;
	v1 =	vimm.f32 $1.000000000e+00;
	s8 =	simm.s32 $0x4;
	[dreg:$0xa] =	wrdreg s7;
	s18 =	sadd.s32 s21, s2  }
.LBB2_8:
0x1e: {  	s7 =	simm.s32 @!p0 $0x0;
	s11 =	simm.s32 @!p0 $0x15F90;
	s17 =	rddreg [dreg:$0xb]  }
0x1f: {  	[tilespmem:s11], [sflag:$0x5] =	stream.linear.gather @!p0 [hbm4b:s17+s7], $0x80, $0x38;
	[tilespmem:$0x1E190] =	vst v63  }
0x20: {  	s17 =	simm.s32 @!p0 $0x5  }
0x21: {  	_ =	swait.ge @!p0 [sflag:s17], $0x80  }
0x22: {  	[sflag:s17] =	ssyncset.done @!p0 $0x0;
	s19 =	rddreg [dreg:$0x9]  }
0x23: {  	s20 =	simm.s32 @!p0 $0x16090;
	[sflag:s17] =	ssyncadd.s32 @!p0 $0xFFFFFF80;
	s19 =	sadd.s32 @!p0 s19, s10  }
0x24: {  	[tilespmem:s20], [sflag:$0x5] =	stream.linear.gather @!p0 [hbm4b:s19+s7], $0x80, $0x38;
	[tilespmem:$0x1E190] =	vst v63  }
0x25: {  	_ =	swait.ge @!p0 [sflag:s17], $0x80  }
0x26: {  	[sflag:s17] =	ssyncset.done @!p0 $0x0  }
0x27: {  	s7 =	simm.s32 @!p0 $0x80;
	s19 =	simm.s32 @!p0 $0x16190;
	[sflag:s17] =	ssyncadd.s32 @!p0 $0xFFFFFF80  }
0x28: {  	[tilespmem:s19], [sflag:$0x1] =	stream.indirect.gather @!p0 [hbm4b:s0+s7], $0x80, s11, s7, $0xb8;
	[tilespmem:$0x1E190] =	vst v63  }
0x29: {  	v2 =	vld @!p0 [tilespmem:$0x16090];
	_ =	sdelay $0x6  }
0x2a: {  	v3 =	vimm.f32 @!p0 $1.000000000e+00;
	s11 =	simm.s32 @!p0 $0x13880  }
0x2b: {  	[tilespmem:v2+s11+$0x0] =	vst.idx.add.f32.msk @!p0 $0xffff, v3  }
0x2c: {  	v2 =	vld @!p0 [tilespmem:$0x160A0];
	_ =	sdelay $0x7  }
0x2d: {  	[tilespmem:v2+s11+$0x0] =	vst.idx.add.f32.msk @!p0 $0xffff, v3  }
0x2e: {  	v2 =	vld @!p0 [tilespmem:$0x160B0];
	_ =	sdelay $0x7  }
0x2f: {  	[tilespmem:v2+s11+$0x0] =	vst.idx.add.f32.msk @!p0 $0xffff, v3  }
0x30: {  	v2 =	vld @!p0 [tilespmem:$0x160C0];
	_ =	sdelay $0x7  }
0x31: {  	[tilespmem:v2+s11+$0x0] =	vst.idx.add.f32.msk @!p0 $0xffff, v3  }
0x32: {  	v2 =	vld @!p0 [tilespmem:$0x160D0];
	_ =	sdelay $0x7  }
0x33: {  	[tilespmem:v2+s11+$0x0] =	vst.idx.add.f32.msk @!p0 $0xffff, v3  }
0x34: {  	v2 =	vld @!p0 [tilespmem:$0x160E0];
	_ =	sdelay $0x7  }
0x35: {  	[tilespmem:v2+s11+$0x0] =	vst.idx.add.f32.msk @!p0 $0xffff, v3  }
0x36: {  	v2 =	vld @!p0 [tilespmem:$0x160F0];
	_ =	sdelay $0x7  }
0x37: {  	[tilespmem:v2+s11+$0x0] =	vst.idx.add.f32.msk @!p0 $0xffff, v3  }
0x38: {  	v2 =	vld @!p0 [tilespmem:$0x16100];
	_ =	sdelay $0x7  }
0x39: {  	[tilespmem:v2+s11+$0x0] =	vst.idx.add.f32.msk @!p0 $0xffff, v3;
	s11 =	simm.s32 @!p0 $0x1  }
0x3a: {  	_ =	swait.ge @!p0 [sflag:s11], $0x4000  }
0x3b: {  	[sflag:s11] =	ssyncset.done @!p0 $0x0  }
0x3c: {  	[sflag:s11] =	ssyncadd.s32 @!p0 $0xFFFFC000  }
0x3d: {  	[spmem:s4] =	stream.indirect.scatter.add.f32 @!p0 [tilespmem:s19], [sflag:$0x5], $0x80, s20, s7, $0xb8;
	[tilespmem:$0x1E190] =	vst v63  }
0x3e: {  	_ =	swait.ge @!p0 [sflag:s17], $0x4000  }
0x3f: {  	[sflag:s17] =	ssyncset.done @!p0 $0x0  }
0x40: {  	s22 =	stileid.u32;
	[sflag:s17] =	ssyncadd.s32 @!p0 $0xFFFFC000  }
0x41: {  	s7 =	sshll.u32 s22, $0x6;
	[bflag:$0x0] =	sbarrier.arrive $0xFFFF  }
0x42: {  	s7 =	sor.u32 $0x1C01, s7;
	s23 =	rddreg [dreg:$0xc]  }
0x43: {  	[hbm:s23], [sflag:s7] =	dma.local [spmem:s25], $0x2710  }
0x44: {  	s7 =	rddreg [dreg:$0xd]  }
0x45: {  	[hbm4b:s7+s5] =	stream.linear.scatter [tilespmem:s1], [sflag:$0x3], $0x2710, $0x38;
	[tilespmem:$0x1E190] =	vst v63  }
0x46: {  	_ =	swait.ge [sflag:s13], $0x2710  }
0x47: {  	[sflag:s13] =	ssyncset.done $0x0  }
0x48: {  	[sflag:s13] =	ssyncadd.s32 $0xFFFFD8F0  }
0x49: {  	_ =	swait.ge [sflag:s15], $0x2710  }
0x4a: {  	s16 =	sadd.s32 $0x1, s16;
	s28 =	rddreg [dreg:$0xe]  }
0x4b: {  	p1 =	sne.s32 s16, s28  }
.Ltmp1:
0x4c: {  	_ = 	snop;
	(pc) =	sbr.rel @!p1 .LBB2_9-.Ltmp1, $3  }
0x4d: {  	_ =	sdelay $0x1  }
0x4e: {  	[sflag:s15] =	ssyncset.done $0x0  }
0x4f: {  	[sflag:s15] =	ssyncadd.s32 $0xFFFFD8F0  }
.LBB2_1:
0x50: {  	s11 =	simm.s32 $0x0;
	s17 =	simm.s32 $0x200  }
.LBB2_2:
0x51: {  	p1 =	sne.s32 s17, $0xFE00;
	[tilespmem:s11+$0x16200] =	vst v0  }
0x52: {  	[tilespmem:s11+$0x16190] =	vst v0  }
0x53: {  	[tilespmem:s11+$0x161A0] =	vst v0  }
.Ltmp2:
0x54: {  	[tilespmem:s11+$0x161B0] =	vst v0;
	(pc) =	sbr.rel @p1 .LBB2_2-.Ltmp2, $4  }
0x55: {  	[tilespmem:s11+$0x161C0] =	vst v0  }
0x56: {  	[tilespmem:s11+$0x161D0] =	vst v0  }
0x57: {  	[tilespmem:s11+$0x161E0] =	vst v0  }
0x58: {  	[tilespmem:s11+$0x161F0] =	vst v0;
	s11 =	sshra.s32 s17, $0x2;
	s17 =	sadd.s32 $0x200, s17  }
0x59: {  	[tilespmem:s11+$0x16200] =	vst v0  }
0x5a: {  	[tilespmem:s11+$0x16190] =	vst v0  }
0x5b: {  	[tilespmem:s11+$0x161A0] =	vst v0  }
0x5c: {  	[tilespmem:s11+$0x161B0] =	vst v0  }
0x5d: {  	[tilespmem:s11+$0x161C0] =	vst v0  }
0x5e: {  	[tilespmem:s11+$0x161D0] =	vst v0  }
0x5f: {  	[tilespmem:s11+$0x161E0] =	vst v0  }
0x60: {  	[tilespmem:s11+$0x161F0] =	vst v0  }
0x61: {  	[spmem:s6] =	stream.linear.scatter [tilespmem:s24], [sflag:$0x5], $0x4000, $0x38;
	[tilespmem:$0x1E190] =	vst v63  }
0x62: {  	_ =	swait.ge [sflag:s26], $0x4000  }
0x63: {  	[sflag:s26] =	ssyncset.done $0x0  }
0x64: {  	s7 =	rddreg [dreg:$0xf];
	[sflag:s26] =	ssyncadd.s32 $0xFFFFC000  }
0x65: {  	[spmem:s7] =	stream.linear.scatter [tilespmem:s24], [sflag:$0x5], $0x4000, $0x38;
	[tilespmem:$0x1E190] =	vst v63  }
0x66: {  	_ =	swait.ge [sflag:s26], $0x4000  }
0x67: {  	[sflag:s26] =	ssyncset.done $0x0  }
0x68: {  	s22 =	rddreg [dreg:$0x10];
	[sflag:s26] =	ssyncadd.s32 $0xFFFFC000  }
0x69: {  	[spmem:s22] =	stream.linear.scatter [tilespmem:s24], [sflag:$0x5], $0x4000, $0x38;
	[tilespmem:$0x1E190] =	vst v63  }
0x6a: {  	_ =	swait.ge [sflag:s26], $0x4000  }
0x6b: {  	[sflag:s26] =	ssyncset.done $0x0  }
0x6c: {  	s23 =	rddreg [dreg:$0x11];
	[sflag:s26] =	ssyncadd.s32 $0xFFFFC000  }
0x6d: {  	[spmem:s23] =	stream.linear.scatter [tilespmem:s24], [sflag:$0x5], $0x4000, $0x38;
	[tilespmem:$0x1E190] =	vst v63  }
0x6e: {  	_ =	swait.ge [sflag:s26], $0x4000  }
0x6f: {  	[sflag:s26] =	ssyncset.done $0x0  }
0x70: {  	s28 =	rddreg [dreg:$0x6];
	[sflag:s26] =	ssyncadd.s32 $0xFFFFC000  }
0x71: {  	[spmem:s28] =	stream.linear.scatter [tilespmem:s24], [sflag:$0x5], $0x3880, $0x38;
	[tilespmem:$0x1E190] =	vst v63  }
0x72: {  	_ =	swait.ge [sflag:s26], $0x3880  }
0x73: {  	[sflag:s26] =	ssyncset.done $0x0  }
0x74: {  	s11 =	simm.s32 $0x40;
	s17 =	simm.s32 $0x0;
	[sflag:s26] =	ssyncadd.s32 $0xFFFFC780  }
.LBB2_4:
0x75: {  	p1 =	sne.s32 s11, $0x9C00;
	[tilespmem:s17+$0x13880] =	vst v0;
	s17 =	smov.u32 s11;
	s11 =	sadd.s32 $0x40, s11  }
.Ltmp3:
0x76: {  	(pc) =	sbr.rel @p1 .LBB2_4-.Ltmp3, $2  }
0x77: {  	_ =	sdelay $0x2  }
0x78: {  	s17 =	sshra.s32 s17, $0x2  }
0x79: {  	[tilespmem:s17+$0x13880] =	vst v0  }
0x7a: {  	[bflag:$0x0] =	sbarrier.arrive $0xFFFF  }
0x7b: {  	s11 =	simm.s32 $0x0;
	s19 =	simm.s32 $0x15F90;
	s7 =	rddreg [dreg:$0x7]  }
0x7c: {  	[tilespmem:s19], [sflag:$0x5] =	stream.linear.gather [hbm4b:s7+s11], $0x80, $0x38;
	[tilespmem:$0x1E190] =	vst v63  }
0x7d: {  	_ =	swait.ge [sflag:s26], $0x80  }
0x7e: {  	[sflag:s26] =	ssyncset.done $0x0;
	s17 =	rddreg [dreg:$0x5]  }
0x7f: {  	[sflag:s26] =	ssyncadd.s32 $0xFFFFFF80;
	s20 =	sadd.s32 s17, s10  }
0x80: {  	[tilespmem:s29], [sflag:$0x5] =	stream.linear.gather [hbm4b:s20+s11], $0x80, $0x38;
	[tilespmem:$0x1E190] =	vst v63  }
0x81: {  	_ =	swait.ge [sflag:s26], $0x80  }
0x82: {  	[sflag:s26] =	ssyncset.done $0x0  }
0x83: {  	s22 =	rddreg [dreg:$0xa];
	[sflag:s26] =	ssyncadd.s32 $0xFFFFFF80  }
0x84: {  	[tilespmem:s24], [sflag:$0x1] =	stream.indirect.gather [hbm4b:s0+s30], $0x80, s19, s30, $0xb8;
	[tilespmem:$0x1E190] =	vst v63  }
0x85: {  	s17 =	sadd.s32 s10, s21;
	s23 =	rddreg [dreg:$0x8]  }
0x86: {  	[tilespmem:s31], [sflag:$0x4] =	stream.linear.gather [hbm4b:s22+s11], $0x80, $0x38;
	[tilespmem:$0x1E190] =	vst v63  }
0x87: {  	s28 =	sadd.s32 s23, s10;
	s23 =	smov.u32 s12;
	s22 =	smov.u32 s18  }
0x88: {  	[tilespmem:s3], [sflag:$0x4] =	stream.linear.gather [hbm4b:s28+s11], $0x80, $0x38;
	[tilespmem:$0x1E190] =	vst v63  }
.LBB2_6:
0x89: {  	v2 =	vld [tilespmem:$0x16090];
	_ =	sdelay $0x7  }
0x8a: {  	[tilespmem:v2+s1+$0x0] =	vst.idx.add.f32.msk $0xffff, v1  }
0x8b: {  	v2 =	vld [tilespmem:$0x160A0];
	_ =	sdelay $0x7  }
0x8c: {  	[tilespmem:v2+s1+$0x0] =	vst.idx.add.f32.msk $0xffff, v1  }
0x8d: {  	v2 =	vld [tilespmem:$0x160B0];
	_ =	sdelay $0x7  }
0x8e: {  	[tilespmem:v2+s1+$0x0] =	vst.idx.add.f32.msk $0xffff, v1  }
0x8f: {  	v2 =	vld [tilespmem:$0x160C0];
	_ =	sdelay $0x7  }
0x90: {  	[tilespmem:v2+s1+$0x0] =	vst.idx.add.f32.msk $0xffff, v1  }
0x91: {  	v2 =	vld [tilespmem:$0x160D0];
	_ =	sdelay $0x7  }
0x92: {  	[tilespmem:v2+s1+$0x0] =	vst.idx.add.f32.msk $0xffff, v1  }
0x93: {  	v2 =	vld [tilespmem:$0x160E0];
	_ =	sdelay $0x7  }
0x94: {  	[tilespmem:v2+s1+$0x0] =	vst.idx.add.f32.msk $0xffff, v1  }
0x95: {  	v2 =	vld [tilespmem:$0x160F0];
	_ =	sdelay $0x7  }
0x96: {  	[tilespmem:v2+s1+$0x0] =	vst.idx.add.f32.msk $0xffff, v1  }
0x97: {  	v2 =	vld [tilespmem:$0x16100];
	_ =	sdelay $0x7  }
0x98: {  	[tilespmem:v2+s1+$0x0] =	vst.idx.add.f32.msk $0xffff, v1  }
0x99: {  	_ =	swait.ge [sflag:s8], $0x80  }
0x9a: {  	[sflag:s8] =	ssyncset.done $0x0  }
0x9b: {  	[sflag:s8] =	ssyncadd.s32 $0xFFFFFF80  }
0x9c: {  	_ =	swait.ge [sflag:s8], $0x80  }
0x9d: {  	[sflag:s8] =	ssyncset.done $0x0  }
0x9e: {  	[sflag:s8] =	ssyncadd.s32 $0xFFFFFF80  }
0x9f: {  	[tilespmem:s9], [sflag:$0x2] =	stream.indirect.gather [hbm4b:s0+s30], $0x80, s31, s30, $0xb8;
	[tilespmem:$0x1E190] =	vst v63  }
0xa0: {  	_ =	swait.ge [sflag:s13], $0x4000  }
0xa1: {  	[sflag:s13] =	ssyncset.done $0x0  }
0xa2: {  	[sflag:s13] =	ssyncadd.s32 $0xFFFFC000  }
0xa3: {  	[spmem:s4] =	stream.indirect.scatter.add.f32 [tilespmem:s24], [sflag:$0x5], $0x80, s29, s30, $0xb8;
	[tilespmem:$0x1E190] =	vst v63  }
0xa4: {  	p1 =	seq.s32 s11, $0x26;
	_ =	swait.ge [sflag:s26], $0x4000  }
0xa5: {  	s7 =	sshrl.u32 @!p1 s23, $0x3;
	s20 =	simm.s32 @!p1 $0x0;
	[sflag:s26] =	ssyncset.done $0x0  }
0xa6: {  	s28 =	simm.s32 @!p1 $0x15F90;
	s19 =	sadd.s32 @!p1 s2, s7;
	[sflag:s26] =	ssyncadd.s32 $0xFFFFC000  }
0xa7: {  	[tilespmem:s28], [sflag:$0x3] =	stream.linear.gather @!p1 [hbm4b:s19+s20], $0x80, $0x38;
	[tilespmem:$0x1E190] =	vst v63  }
0xa8: {  	s7 =	sadd.s32 @!p1 s10, s7;
	s19 =	simm.s32 @!p1 $0x16090  }
0xa9: {  	[tilespmem:s19], [sflag:$0x3] =	stream.linear.gather @!p1 [hbm4b:s7+s20], $0x80, $0x38;
	[tilespmem:$0x1E190] =	vst v63  }
0xaa: {  	v2 =	vld [tilespmem:$0x16110];
	_ =	sdelay $0x7  }
0xab: {  	[tilespmem:v2+s1+$0x0] =	vst.idx.add.f32.msk $0xffff, v1  }
0xac: {  	v2 =	vld [tilespmem:$0x16120];
	_ =	sdelay $0x7  }
0xad: {  	[tilespmem:v2+s1+$0x0] =	vst.idx.add.f32.msk $0xffff, v1  }
0xae: {  	v2 =	vld [tilespmem:$0x16130];
	_ =	sdelay $0x7  }
0xaf: {  	[tilespmem:v2+s1+$0x0] =	vst.idx.add.f32.msk $0xffff, v1  }
0xb0: {  	v2 =	vld [tilespmem:$0x16140];
	_ =	sdelay $0x7  }
0xb1: {  	[tilespmem:v2+s1+$0x0] =	vst.idx.add.f32.msk $0xffff, v1  }
0xb2: {  	v2 =	vld [tilespmem:$0x16150];
	_ =	sdelay $0x7  }
0xb3: {  	[tilespmem:v2+s1+$0x0] =	vst.idx.add.f32.msk $0xffff, v1  }
0xb4: {  	v2 =	vld [tilespmem:$0x16160];
	_ =	sdelay $0x7  }
0xb5: {  	[tilespmem:v2+s1+$0x0] =	vst.idx.add.f32.msk $0xffff, v1  }
0xb6: {  	v2 =	vld [tilespmem:$0x16170];
	_ =	sdelay $0x7  }
0xb7: {  	[tilespmem:v2+s1+$0x0] =	vst.idx.add.f32.msk $0xffff, v1  }
0xb8: {  	v2 =	vld [tilespmem:$0x16180];
	_ =	sdelay $0x6  }
0xb9: {  	p2 =	sgt.u32 s11, $0x25  }
0xba: {  	s7 =	simm.s32 @!p2 $0x3;
	[tilespmem:v2+s1+$0x0] =	vst.idx.add.f32.msk $0xffff, v1  }
0xbb: {  	_ =	swait.ge @!p2 [sflag:s7], $0x80  }
0xbc: {  	[sflag:s7] =	ssyncset.done @!p2 $0x0  }
0xbd: {  	[sflag:s7] =	ssyncadd.s32 @!p2 $0xFFFFFF80  }
0xbe: {  	_ =	swait.ge @!p2 [sflag:s7], $0x80  }
0xbf: {  	s19 =	simm.s32 @!p2 $0x15F90;
	[sflag:s7] =	ssyncset.done @!p2 $0x0  }
0xc0: {  	s20 =	simm.s32 @!p2 $0x16190;
	[sflag:s7] =	ssyncadd.s32 @!p2 $0xFFFFFF80;
	s7 =	simm.s32 @!p2 $0x80  }
0xc1: {  	[tilespmem:s20], [sflag:$0x1] =	stream.indirect.gather @!p2 [hbm4b:s0+s7], $0x80, s19, s7, $0xb8;
	[tilespmem:$0x1E190] =	vst v63  }
0xc2: {  	_ =	swait.ge [sflag:s14], $0x4000  }
0xc3: {  	[sflag:s14] =	ssyncset.done $0x0  }
.Ltmp4:
0xc4: {  	[sflag:s14] =	ssyncadd.s32 $0xFFFFC000;
	(pc) =	sbr.rel @p1 .LBB2_8-.Ltmp4, $4  }
0xc5: {  	[spmem:s4] =	stream.indirect.scatter.add.f32 [tilespmem:s9], [sflag:$0x5], $0x80, s3, s30, $0xb8;
	[tilespmem:$0x1E190] =	vst v63  }
0xc6: {  	_ =	swait.ge [sflag:s26], $0x4000  }
0xc7: {  	[sflag:s26] =	ssyncset.done $0x0  }
0xc8: {  	[sflag:s26] =	ssyncadd.s32 $0xFFFFC000  }
.Ltmp5:
0xc9: {  	(pc) =	sbr.rel .LBB2_6-.Ltmp5, $4  }
0xca: {  	[tilespmem:s31], [sflag:$0x4] =	stream.linear.gather [hbm4b:s22+s5], $0x80, $0x38;
	[tilespmem:$0x1E190] =	vst v63  }
0xcb: {  	s11 =	sadd.s32 $0x1, s11  }
0xcc: {  	[tilespmem:s3], [sflag:$0x4] =	stream.linear.gather [hbm4b:s17+s5], $0x80, $0x38;
	[tilespmem:$0x1E190] =	vst v63  }
0xcd: {  	s22 =	sadd.s32 $0x20, s22;
	s23 =	sadd.s32 $0x100, s23;
	s17 =	sadd.s32 $0x20, s17  }
.LBB2_9:
0xce: {  	_ =	sfence.sel $0x180000  }
0xcf: {  	[bflag:$0x0] =	sbarrier.arrive $0xFFFF  }
0xd0: {  	_ =	strace $0x90000047  }
0xd1: {  	s0 =	stileid.u32;
	[bflag:$0x2] =	sbarrier.arrive $0xFFFF  }
0xd2: {  	p0 =	sne.s32 s0, $0x0;
	s0 =	rddreg [dreg:$0x4]  }
0xd3: {  	s0 =	sadd.s32 @!p0 $0x100000, s0  }
0xd4: {  	[sflag:s0] =	ssyncadd.tile.s32 @!p0 $0x1;
	_ =	shalt  }
.Lfunc_end2:
_tile_overlayer_lowered:
.L_overlay_start_2:
0xd5: {  	(tag) =	ssettag $0x2  }
0xd6: {  	s0 =	rddreg [dreg:$0x0];
	s2 =	stileid.u32  }
0xd7: {  	s1 =	rddreg [dreg:$0x1];
	p0 =	sne.s32 s2, $0x0  }
0xd8: {  	s3 =	rddreg [dreg:$0x2];
	[bflag:$0x3] =	sbarrier.arrive $0xFFFF;
	s2 =	simm.s32 @!p0 $0x1C05  }
0xd9: {  	[timem:s3], [sflag:s2] =	dma.local @!p0 [hbm:s0], s1  }
0xda: {  	s0 =	simm.s32 @!p0 $0x5  }
0xdb: {  	_ =	swait.ge @!p0 [sflag:s0], s1  }
0xdc: {  	s1 =	ssub.s32 @!p0 $0x0, s1;
	[sflag:s0] =	ssyncset.done @!p0 $0x0  }
0xdd: {  	[sflag:s0] =	ssyncadd.s32 @!p0 s1  }
0xde: {  	[bflag:$0x3] =	sbarrier.arrive $0xFFFF  }
0xdf: {  	_ =	shalt  }

</sc_bundles>
